<compile_context>
chip_gen: v7x
topology: tpu7x:2x2x1
jax: 0.10.2.dev20260603
libtpu: 0.0.44.dev20260713+nightly
codegen_flags: <defaults>
</compile_context>

<pallas_src>
import functools

import jax
import jax.numpy as jnp
from jax import lax
from jax.experimental import pallas as pl
from jax.experimental.pallas import tpu as pltpu
from jax.experimental.pallas import tpu_sc as plsc

_NC = 2
_NS = 16
_NW = _NC * _NS
_CK = 400


def _ceil_div(a, b):
    return (a + b - 1) // b


def _make_edge_scatter_add(n_rows, feat, nchunk, acc_rows):
    rows_per_tile = acc_rows // _NS
    mesh = plsc.VectorSubcoreMesh(core_axis_name="c", subcore_axis_name="s")

    @functools.partial(
        pl.kernel,
        mesh=mesh,
        out_type=jax.ShapeDtypeStruct((_NC, acc_rows, feat), jnp.float32),
        scratch_types=[
            pltpu.VMEM((nchunk, _CK), jnp.int32),
            pltpu.VMEM((nchunk, _CK), jnp.int32),
            pltpu.VMEM((_CK, feat), jnp.float32),
            pltpu.VMEM_SHARED((acc_rows, feat), jnp.float32),
            pltpu.VMEM_SHARED((acc_rows, feat), jnp.float32),
            pltpu.SemaphoreType.DMA,
        ],
        compiler_params=pltpu.CompilerParams(use_tc_tiling_on_sc=False),
    )
    def k(table, src3, dst3, zrows, out, src_v, dst_v, rows0, acc, tsp, sem0):
        c = lax.axis_index("c")
        s = lax.axis_index("s")
        wid = s * _NC + c
        pltpu.sync_copy(zrows, acc.at[pl.ds(s * rows_per_tile, rows_per_tile)])
        pltpu.sync_copy(table.at[pl.ds(s * rows_per_tile, rows_per_tile)],
                        tsp.at[pl.ds(s * rows_per_tile, rows_per_tile)])
        pltpu.sync_copy(src3.at[wid], src_v)
        pltpu.sync_copy(dst3.at[wid], dst_v)
        plsc.subcore_barrier()

        def chunk(j, carry):
            pltpu.async_copy(tsp.at[src_v.at[j]], rows0, sem0).wait()
            pltpu.sync_copy(rows0, acc.at[dst_v.at[j]], add=True)
            return carry

        lax.fori_loop(0, nchunk, chunk, 0)
        plsc.subcore_barrier()
        pltpu.sync_copy(
            acc.at[pl.ds(s * rows_per_tile, rows_per_tile)],
            out.at[c, pl.ds(s * rows_per_tile, rows_per_tile)],
        )

    return k


def _bn_in(x, gamma, beta):
    m = jnp.mean(x, axis=0, keepdims=True)
    v = jnp.mean((x - m) * (x - m), axis=0, keepdims=True)
    return (x - m) / jnp.sqrt(v + 1e-5) * gamma + beta


def _dot(a, b):
    return jnp.dot(a, b, preferred_element_type=jnp.float32)


def _tc1_body(n, feats, W1, resW1, resb1, h_o, res1_o):
    f = feats[...]
    h_o[0:n, :] = _dot(f, W1[...])
    res1_o[...] = jnp.maximum(_dot(f, resW1[...]) + resb1[...], 0.0)


def _tc2_body(n, acc_rows, p, res1, b1, g1, be1, resW2, resb2, x1_o, res2_o):
    agg = p[0, :n, :] + p[1, :n, :]
    conv = jnp.maximum(agg + b1[...], 0.0)
    x1 = _bn_in(conv + res1[...], g1[...], be1[...])
    x1_o[0:n, :] = x1
    res2_o[...] = jnp.maximum(_dot(x1, resW2[...]) + resb2[...], 0.0)


def _tc3_body(n, nb, npad, p, res2, W2, b2, g2, be2, aw, ab, idsc, idsr, addf,
              M1, mb1, gm, bm, M2, mb2, out_o, x2s):
    agg2 = p[0, :n, :] + p[1, :n, :]
    conv2 = jnp.maximum(_dot(agg2, W2[...]) + b2[...], 0.0)
    x2 = _bn_in(conv2 + res2[...], g2[...], be2[...])
    feat = x2.shape[1]
    z = _dot(x2, aw[...]) + ab[...]
    wgt = 1.0 / (1.0 + jnp.exp(-z))
    gcol = lax.broadcasted_iota(jnp.int32, (nb, 1), 0)
    onehot_t = (gcol == idsr[...]).astype(jnp.float32)
    hsum = _dot(onehot_t, x2 * wgt)
    x2s[0:n, :] = x2
    if npad > n:
        x2s[n:npad, :] = jnp.zeros((npad - n, feat), jnp.float32)
    blk = 128
    gids = lax.broadcasted_iota(jnp.int32, (1, nb), 1)
    rpos = lax.broadcasted_iota(jnp.int32, (blk, 1), 0)
    neg = jnp.float32(-jnp.inf)

    def step(i, hmax):
        st = i * blk
        rows = x2s[pl.ds(st, blk), :]
        idc = idsc[pl.ds(st, blk), :]
        for s in (1, 2, 4, 8, 16, 32, 64):
            rsh = jnp.concatenate(
                [jnp.full((s, feat), neg), rows[: blk - s]], axis=0)
            ish = jnp.concatenate(
                [jnp.full((s, 1), -1, jnp.int32), idc[: blk - s]], axis=0)
            rows = jnp.where(idc == ish, jnp.maximum(rows, rsh), rows)
        idn = jnp.concatenate(
            [idc[1:], jnp.full((1, 1), -1, jnp.int32)], axis=0)
        is_end = (idc != idn) | (rpos == blk - 1)
        sel = ((idc == gids) & is_end).astype(jnp.float32)
        csum = lax.dot_general(sel, rows, (((0,), (0,)), ((), ())),
                               preferred_element_type=jnp.float32)
        cnt = lax.dot_general(sel, jnp.ones((blk, 1), jnp.float32),
                              (((0,), (0,)), ((), ())),
                              preferred_element_type=jnp.float32)
        cmax = jnp.where(cnt > 0.0, csum, neg)
        return jnp.maximum(hmax, cmax)

    hmax = lax.fori_loop(0, npad // blk, step,
                         jnp.full((nb, feat), neg, jnp.float32))
    gfeat = jnp.concatenate([hsum, hmax, addf[...]], axis=1)
    hmlp = jnp.maximum(_dot(gfeat, M1[...]) + mb1[...], 0.0)
    hmlp = _bn_in(hmlp, gm[...], bm[...])
    out_o[...] = _dot(hmlp, M2[...]) + mb2[...]


def kernel(feats, edge_index, node_to_graph, add_feats, W1, b1, resW1, resb1,
           g1, be1, W2, b2, resW2, resb2, g2, be2, aw, ab, M1, mb1, gm, bm,
           M2, mb2):
    n, d = feats.shape
    h = W1.shape[1]
    nb = add_feats.shape[0]
    e = edge_index.shape[1]

    nchunk = _ceil_div(e, _NW * _CK)
    e_pad = _NW * _CK * nchunk
    acc_rows = _ceil_div(n + 1, _NS * 8) * _NS * 8
    rows_per_tile = acc_rows // _NS

    src, dst = edge_index[0], edge_index[1]
    if e_pad > e:
        src = jnp.concatenate([src, jnp.zeros((e_pad - e,), jnp.int32)])
        dst = jnp.concatenate([dst, jnp.full((e_pad - e,), n, jnp.int32)])
    src3 = src.reshape(_NW, nchunk, _CK)
    dst3 = dst.reshape(_NW, nchunk, _CK)
    zrows = jnp.zeros((rows_per_tile, h), jnp.float32)

    scatter = _make_edge_scatter_add(n, h, nchunk, acc_rows)

    r = lambda v: v.reshape(1, -1)
    npad = _ceil_div(n, 128) * 128
    idsc = jnp.concatenate(
        [node_to_graph, jnp.full((npad - n,), -1, jnp.int32)]).reshape(npad, 1)
    idsr = node_to_graph.reshape(1, n)

    h1, res1 = pl.pallas_call(
        functools.partial(_tc1_body, n),
        out_shape=[jax.ShapeDtypeStruct((acc_rows, h), jnp.float32),
                   jax.ShapeDtypeStruct((n, h), jnp.float32)],
    )(feats, W1, resW1, r(resb1))

    p1 = scatter(h1, src3, dst3, zrows)

    x1, res2 = pl.pallas_call(
        functools.partial(_tc2_body, n, acc_rows),
        out_shape=[jax.ShapeDtypeStruct((acc_rows, h), jnp.float32),
                   jax.ShapeDtypeStruct((n, h), jnp.float32)],
    )(p1, res1, r(b1), r(g1), r(be1), resW2, r(resb2))

    p2 = scatter(x1, src3, dst3, zrows)

    out = pl.pallas_call(
        functools.partial(_tc3_body, n, nb, npad),
        out_shape=jax.ShapeDtypeStruct((nb, M2.shape[1]), jnp.float32),
        scratch_shapes=[pltpu.VMEM((npad, h), jnp.float32)],
    )(p2, res2, W2, r(b2), r(g2), r(be2), aw, r(ab), idsc, idsr, add_feats,
      M1, r(mb1), r(gm), r(bm), M2, r(mb2))
    return out

# --- scband reference (transcript-rebuilt; emitter-appended) ---
"""Pipeline reference for scband-gcnorpredictor-6820408066338 (READ-ONLY COPY).

The authoritative reference and input builder live on the scoring server;
editing this copy changes nothing except your own understanding.
"""

import jax, jax.numpy as jnp
import numpy as np

N = 10000; E = 320000; D = 128; H = 64; B = 256; ADD = 16; PH = 128; T = 1

def _bn(x, gamma, beta):
    m = jnp.mean(x, axis=0, keepdims=True)
    v = jnp.var(x, axis=0, keepdims=True)
    return (x - m) / jnp.sqrt(v + 1e-5) * gamma + beta

def setup_inputs(seed: int = 0):
    key = jax.random.key(seed)
    ks = [jax.random.fold_in(key, i) for i in range(16)]
    s = 0.05
    inp = {}
    inp["feats"] = jax.random.normal(ks[0], (N, D), dtype=jnp.float32)
    inp["edge_index"] = jax.random.randint(ks[1], (2, E), 0, N, dtype=jnp.int32)
    inp["node_to_graph"] = jnp.sort(jax.random.randint(ks[2], (N,), 0, B, dtype=jnp.int32))
    inp["add_feats"] = jax.random.normal(ks[3], (B, ADD), dtype=jnp.float32)
    inp["W1"] = jax.random.normal(ks[4], (D, H), dtype=jnp.float32) * s
    inp["b1"] = jnp.zeros((H,), jnp.float32)
    inp["resW1"] = jax.random.normal(ks[5], (D, H), dtype=jnp.float32) * s
    inp["resb1"] = jnp.zeros((H,), jnp.float32)
    inp["g1"] = jnp.ones((H,), jnp.float32); inp["be1"] = jnp.zeros((H,), jnp.float32)
    inp["W2"] = jax.random.normal(ks[6], (H, H), dtype=jnp.float32) * s
    inp["b2"] = jnp.zeros((H,), jnp.float32)
    inp["resW2"] = jax.random.normal(ks[7], (H, H), dtype=jnp.float32) * s
    inp["resb2"] = jnp.zeros((H,), jnp.float32)
    inp["g2"] = jnp.ones((H,), jnp.float32); inp["be2"] = jnp.zeros((H,), jnp.float32)
    inp["aw"] = jax.random.normal(ks[8], (H, 1), dtype=jnp.float32) * s
    inp["ab"] = jnp.zeros((1,), jnp.float32)
    inp["M1"] = jax.random.normal(ks[9], (2 * H + ADD, PH), dtype=jnp.float32) * s
    inp["mb1"] = jnp.zeros((PH,), jnp.float32)
    inp["gm"] = jnp.ones((PH,), jnp.float32); inp["bm"] = jnp.zeros((PH,), jnp.float32)
    inp["M2"] = jax.random.normal(ks[10], (PH, T), dtype=jnp.float32) * s
    inp["mb2"] = jnp.zeros((T,), jnp.float32)
    return inp

def reference(feats, edge_index, node_to_graph, add_feats, W1, b1, resW1, resb1, g1, be1, W2, b2, resW2, resb2, g2, be2, aw, ab, M1, mb1, gm, bm, M2, mb2):
    src, dst = edge_index[0], edge_index[1]
    # GCN layer 1 (norm='none', in_feats > out_feats: weight first, then sum-aggregate)
    h = feats @ W1
    agg = jnp.zeros((feats.shape[0], W1.shape[1]), feats.dtype).at[dst].add(h[src])
    conv = jax.nn.relu(agg + b1)
    res = jax.nn.relu(feats @ resW1 + resb1)  # residual connection
    x1 = _bn(conv + res, g1, be1)             # batchnorm (training-mode stats)
    # GCN layer 2 (in_feats == out_feats: aggregate first, then weight)
    agg2 = jnp.zeros_like(x1).at[dst].add(x1[src])
    conv2 = jax.nn.relu(agg2 @ W2 + b2)
    res2 = jax.nn.relu(x1 @ resW2 + resb2)
    x2 = _bn(conv2 + res2, g2, be2)
    # WeightedSumAndMax readout over graphs in batch
    w = jax.nn.sigmoid(x2 @ aw + ab)
    hsum = jax.ops.segment_sum(x2 * w, node_to_graph, num_segments=B)
    hmax = jax.ops.segment_max(x2, node_to_graph, num_segments=B)
    gfeat = jnp.concatenate([hsum, hmax, add_feats], axis=1)
    # MLP predictor: Linear -> ReLU -> BatchNorm -> Linear
    hmlp = jax.nn.relu(gfeat @ M1 + mb1)
    hmlp = _bn(hmlp, gm, bm)
    return hmlp @ M2 + mb2

if __name__ == "__main__":
    import jax
    _d = setup_inputs()
    print(jax.jit(kernel)(*tuple(_d.values())))

</pallas_src>

<mosaic_0001>
#map = affine_map<(d0, d1) -> (0, 0)>
#map1 = affine_map<(d0, d1) -> (0, 0, 0)>
module attributes {stable_mosaic.version = 14 : i64} {
  func.func @k(%arg0: i32, %arg1: i32, %arg2: memref<10112x64xf32, #tpu.memory_space<hbm>>, %arg3: memref<32x25x400xi32, #tpu.memory_space<hbm>>, %arg4: memref<32x25x400xi32, #tpu.memory_space<hbm>>, %arg5: memref<632x64xf32, #tpu.memory_space<hbm>>, %arg6: memref<2x10112x64xf32, #tpu.memory_space<hbm>>, %arg7: memref<25x400xi32, #tpu.memory_space<vmem>>, %arg8: memref<25x400xi32, #tpu.memory_space<vmem>>, %arg9: memref<400x64xf32, #tpu.memory_space<vmem>>, %arg10: memref<10112x64xf32, #tpu.memory_space<vmem_shared>>, %arg11: memref<10112x64xf32, #tpu.memory_space<vmem_shared>>, %arg12: memref<!tpu.dma_semaphore, #tpu.memory_space<semaphore_mem>>) attributes {dimension_semantics = [#tpu.dimension_semantics<core_parallel>, #tpu.dimension_semantics<subcore_parallel>], iteration_bounds = array<i64: 2, 16>, scalar_prefetch = 0 : i64, scratch_operands = 6 : i64, tpu.core_type = #tpu.core_type<sc_vector_subcore>, window_params = [{transform_indices = #map}, {transform_indices = #map1}, {transform_indices = #map1}, {transform_indices = #map}, {transform_indices = #map1}]} {
    %mul3A = arith.constant 2 : i32
    %mul3A_0 = arith.muli %arg1, %mul3A : i32
    %add3A = arith.addi %mul3A_0, %arg0 : i32
    %mul3A_1 = arith.constant 632 : i32
    %mul3A_2 = arith.muli %arg1, %mul3A_1 : i32
    "tpu.region"() ({
      %run_scoped3A = tpu.sem_alloc : memref<!tpu.dma_semaphore, #tpu.memory_space<semaphore_mem>>
      %dma_start3A = arith.constant 0 : i32
      %dma_start3A_17 = tpu.memref_slice %arg10[%mul3A_2, %dma_start3A] : memref<10112x64xf32, #tpu.memory_space<vmem_shared>> -> memref<632x64xf32, #tpu.memory_space<vmem_shared>>
      tpu.enqueue_dma source(%arg5 : memref<632x64xf32, #tpu.memory_space<hbm>>) target(%dma_start3A_17 : memref<632x64xf32, #tpu.memory_space<vmem_shared>>) target_semaphore(%run_scoped3A : memref<!tpu.dma_semaphore, #tpu.memory_space<semaphore_mem>>)
      %dma_wait3A = arith.constant 0 : i32
      %dma_wait3A_18 = tpu.memref_slice %arg10[%mul3A_2, %dma_wait3A] : memref<10112x64xf32, #tpu.memory_space<vmem_shared>> -> memref<632x64xf32, #tpu.memory_space<vmem_shared>>
      tpu.wait_dma2 semaphore(%run_scoped3A : memref<!tpu.dma_semaphore, #tpu.memory_space<semaphore_mem>>) src(%arg5 : memref<632x64xf32, #tpu.memory_space<hbm>>) dst(%dma_wait3A_18 : memref<632x64xf32, #tpu.memory_space<vmem_shared>>)
      tpu.yield
    }) : () -> ()
    %mul3A_3 = arith.constant 632 : i32
    %mul3A_4 = arith.muli %arg1, %mul3A_3 : i32
    %mul3A_5 = arith.constant 632 : i32
    %mul3A_6 = arith.muli %arg1, %mul3A_5 : i32
    "tpu.region"() ({
      %run_scoped3A = tpu.sem_alloc : memref<!tpu.dma_semaphore, #tpu.memory_space<semaphore_mem>>
      %dma_start3A = arith.constant 0 : i32
      %dma_start3A_17 = tpu.memref_slice %arg11[%mul3A_6, %dma_start3A] : memref<10112x64xf32, #tpu.memory_space<vmem_shared>> -> memref<632x64xf32, #tpu.memory_space<vmem_shared>>
      %dma_start3A_18 = arith.constant 0 : i32
      %dma_start3A_19 = tpu.memref_slice %arg2[%mul3A_4, %dma_start3A_18] : memref<10112x64xf32, #tpu.memory_space<hbm>> -> memref<632x64xf32, #tpu.memory_space<hbm>>
      tpu.enqueue_dma source(%dma_start3A_19 : memref<632x64xf32, #tpu.memory_space<hbm>>) target(%dma_start3A_17 : memref<632x64xf32, #tpu.memory_space<vmem_shared>>) target_semaphore(%run_scoped3A : memref<!tpu.dma_semaphore, #tpu.memory_space<semaphore_mem>>)
      %dma_wait3A = arith.constant 0 : i32
      %dma_wait3A_20 = tpu.memref_slice %arg11[%mul3A_6, %dma_wait3A] : memref<10112x64xf32, #tpu.memory_space<vmem_shared>> -> memref<632x64xf32, #tpu.memory_space<vmem_shared>>
      %dma_wait3A_21 = arith.constant 0 : i32
      %dma_wait3A_22 = tpu.memref_slice %arg2[%mul3A_4, %dma_wait3A_21] : memref<10112x64xf32, #tpu.memory_space<hbm>> -> memref<632x64xf32, #tpu.memory_space<hbm>>
      tpu.wait_dma2 semaphore(%run_scoped3A : memref<!tpu.dma_semaphore, #tpu.memory_space<semaphore_mem>>) src(%dma_wait3A_22 : memref<632x64xf32, #tpu.memory_space<hbm>>) dst(%dma_wait3A_20 : memref<632x64xf32, #tpu.memory_space<vmem_shared>>)
      tpu.yield
    }) : () -> ()
    "tpu.region"() ({
      %run_scoped3A = tpu.sem_alloc : memref<!tpu.dma_semaphore, #tpu.memory_space<semaphore_mem>>
      %dma_start3A = arith.constant 0 : i32
      %dma_start3A_17 = arith.constant 0 : i32
      %dma_start3A_18 = tpu.memref_slice %arg3[%add3A, %dma_start3A, %dma_start3A_17] : memref<32x25x400xi32, #tpu.memory_space<hbm>> -> memref<1x25x400xi32, #tpu.memory_space<hbm>>
      %dma_start3A_19 = tpu.memref_squeeze %dma_start3A_18 : memref<1x25x400xi32, #tpu.memory_space<hbm>> -> memref<25x400xi32, #tpu.memory_space<hbm>>
      %dma_start3A_20 = arith.constant 0 : i32
      %dma_start3A_21 = arith.constant 0 : i32
      %dma_start3A_22 = tpu.memref_slice %arg3[%add3A, %dma_start3A_20, %dma_start3A_21] : memref<32x25x400xi32, #tpu.memory_space<hbm>> -> memref<1x25x400xi32, #tpu.memory_space<hbm>>
      %dma_start3A_23 = tpu.memref_squeeze %dma_start3A_22 : memref<1x25x400xi32, #tpu.memory_space<hbm>> -> memref<25x400xi32, #tpu.memory_space<hbm>>
      tpu.enqueue_dma source(%dma_start3A_23 : memref<25x400xi32, #tpu.memory_space<hbm>>) target(%arg7 : memref<25x400xi32, #tpu.memory_space<vmem>>) target_semaphore(%run_scoped3A : memref<!tpu.dma_semaphore, #tpu.memory_space<semaphore_mem>>)
      %dma_wait3A = arith.constant 0 : i32
      %dma_wait3A_24 = arith.constant 0 : i32
      %dma_wait3A_25 = tpu.memref_slice %arg3[%add3A, %dma_wait3A, %dma_wait3A_24] : memref<32x25x400xi32, #tpu.memory_space<hbm>> -> memref<1x25x400xi32, #tpu.memory_space<hbm>>
      %dma_wait3A_26 = tpu.memref_squeeze %dma_wait3A_25 : memref<1x25x400xi32, #tpu.memory_space<hbm>> -> memref<25x400xi32, #tpu.memory_space<hbm>>
      %dma_wait3A_27 = arith.constant 0 : i32
      %dma_wait3A_28 = arith.constant 0 : i32
      %dma_wait3A_29 = tpu.memref_slice %arg3[%add3A, %dma_wait3A_27, %dma_wait3A_28] : memref<32x25x400xi32, #tpu.memory_space<hbm>> -> memref<1x25x400xi32, #tpu.memory_space<hbm>>
      %dma_wait3A_30 = tpu.memref_squeeze %dma_wait3A_29 : memref<1x25x400xi32, #tpu.memory_space<hbm>> -> memref<25x400xi32, #tpu.memory_space<hbm>>
      tpu.wait_dma2 semaphore(%run_scoped3A : memref<!tpu.dma_semaphore, #tpu.memory_space<semaphore_mem>>) src(%dma_wait3A_30 : memref<25x400xi32, #tpu.memory_space<hbm>>) dst(%arg7 : memref<25x400xi32, #tpu.memory_space<vmem>>)
      tpu.yield
    }) : () -> ()
    "tpu.region"() ({
      %run_scoped3A = tpu.sem_alloc : memref<!tpu.dma_semaphore, #tpu.memory_space<semaphore_mem>>
      %dma_start3A = arith.constant 0 : i32
      %dma_start3A_17 = arith.constant 0 : i32
      %dma_start3A_18 = tpu.memref_slice %arg4[%add3A, %dma_start3A, %dma_start3A_17] : memref<32x25x400xi32, #tpu.memory_space<hbm>> -> memref<1x25x400xi32, #tpu.memory_space<hbm>>
      %dma_start3A_19 = tpu.memref_squeeze %dma_start3A_18 : memref<1x25x400xi32, #tpu.memory_space<hbm>> -> memref<25x400xi32, #tpu.memory_space<hbm>>
      %dma_start3A_20 = arith.constant 0 : i32
      %dma_start3A_21 = arith.constant 0 : i32
      %dma_start3A_22 = tpu.memref_slice %arg4[%add3A, %dma_start3A_20, %dma_start3A_21] : memref<32x25x400xi32, #tpu.memory_space<hbm>> -> memref<1x25x400xi32, #tpu.memory_space<hbm>>
      %dma_start3A_23 = tpu.memref_squeeze %dma_start3A_22 : memref<1x25x400xi32, #tpu.memory_space<hbm>> -> memref<25x400xi32, #tpu.memory_space<hbm>>
      tpu.enqueue_dma source(%dma_start3A_23 : memref<25x400xi32, #tpu.memory_space<hbm>>) target(%arg8 : memref<25x400xi32, #tpu.memory_space<vmem>>) target_semaphore(%run_scoped3A : memref<!tpu.dma_semaphore, #tpu.memory_space<semaphore_mem>>)
      %dma_wait3A = arith.constant 0 : i32
      %dma_wait3A_24 = arith.constant 0 : i32
      %dma_wait3A_25 = tpu.memref_slice %arg4[%add3A, %dma_wait3A, %dma_wait3A_24] : memref<32x25x400xi32, #tpu.memory_space<hbm>> -> memref<1x25x400xi32, #tpu.memory_space<hbm>>
      %dma_wait3A_26 = tpu.memref_squeeze %dma_wait3A_25 : memref<1x25x400xi32, #tpu.memory_space<hbm>> -> memref<25x400xi32, #tpu.memory_space<hbm>>
      %dma_wait3A_27 = arith.constant 0 : i32
      %dma_wait3A_28 = arith.constant 0 : i32
      %dma_wait3A_29 = tpu.memref_slice %arg4[%add3A, %dma_wait3A_27, %dma_wait3A_28] : memref<32x25x400xi32, #tpu.memory_space<hbm>> -> memref<1x25x400xi32, #tpu.memory_space<hbm>>
      %dma_wait3A_30 = tpu.memref_squeeze %dma_wait3A_29 : memref<1x25x400xi32, #tpu.memory_space<hbm>> -> memref<25x400xi32, #tpu.memory_space<hbm>>
      tpu.wait_dma2 semaphore(%run_scoped3A : memref<!tpu.dma_semaphore, #tpu.memory_space<semaphore_mem>>) src(%dma_wait3A_30 : memref<25x400xi32, #tpu.memory_space<hbm>>) dst(%arg8 : memref<25x400xi32, #tpu.memory_space<vmem>>)
      tpu.yield
    }) : () -> ()
    %barrier3A = arith.constant 0 : index
    tpu.barrier barrier_id(%barrier3A)
    %scan3A = arith.constant 0 : i32
    %scan3A_7 = arith.constant 0 : i32
    %scan3A_8 = arith.constant 25 : i32
    %scan3A_9 = arith.addi %scan3A_7, %scan3A_8 : i32
    %scan3A_10 = arith.constant 1 : i32
    scf.for %scan3A_17 = %scan3A_7 to %scan3A_9 step %scan3A_10  : i32 {
      %dma_start3A = arith.constant 0 : i32
      %dma_start3A_18 = tpu.memref_slice %arg7[%scan3A_17, %dma_start3A] : memref<25x400xi32, #tpu.memory_space<vmem>> -> memref<1x400xi32, #tpu.memory_space<vmem>>
      %dma_start3A_19 = tpu.memref_squeeze %dma_start3A_18 : memref<1x400xi32, #tpu.memory_space<vmem>> -> memref<400xi32, #tpu.memory_space<vmem>>
      %dma_start3A_20 = arith.constant 0 : i32
      %dma_start3A_21 = arith.constant 0 : i32
      %dma_start3A_22 = tpu.memref_slice %arg11[%dma_start3A_20, %dma_start3A_21] : memref<10112x64xf32, #tpu.memory_space<vmem_shared>> -> memref<10112x64xf32, #tpu.memory_space<vmem_shared>>
      tpu.enqueue_indirect_dma source(%dma_start3A_22 : memref<10112x64xf32, #tpu.memory_space<vmem_shared>>) target(%arg9 : memref<400x64xf32, #tpu.memory_space<vmem>>) offsets(%dma_start3A_19 : memref<400xi32, #tpu.memory_space<vmem>>) semaphore(%arg12 : memref<!tpu.dma_semaphore, #tpu.memory_space<semaphore_mem>>)
      %dma_wait3A = arith.constant 0 : i32
      %dma_wait3A_23 = tpu.memref_slice %arg7[%scan3A_17, %dma_wait3A] : memref<25x400xi32, #tpu.memory_space<vmem>> -> memref<1x400xi32, #tpu.memory_space<vmem>>
      %dma_wait3A_24 = tpu.memref_squeeze %dma_wait3A_23 : memref<1x400xi32, #tpu.memory_space<vmem>> -> memref<400xi32, #tpu.memory_space<vmem>>
      %dma_wait3A_25 = arith.constant 0 : i32
      %dma_wait3A_26 = arith.constant 0 : i32
      %dma_wait3A_27 = tpu.memref_slice %arg11[%dma_wait3A_25, %dma_wait3A_26] : memref<10112x64xf32, #tpu.memory_space<vmem_shared>> -> memref<10112x64xf32, #tpu.memory_space<vmem_shared>>
      tpu.wait_indirect_dma semaphore(%arg12 : memref<!tpu.dma_semaphore, #tpu.memory_space<semaphore_mem>>) src(%dma_wait3A_27 : memref<10112x64xf32, #tpu.memory_space<vmem_shared>>) dst(%arg9 : memref<400x64xf32, #tpu.memory_space<vmem>>)
      "tpu.region"() ({
        %run_scoped3A = tpu.sem_alloc : memref<!tpu.dma_semaphore, #tpu.memory_space<semaphore_mem>>
        %dma_start3A_28 = arith.constant 0 : i32
        %dma_start3A_29 = tpu.memref_slice %arg8[%scan3A_17, %dma_start3A_28] : memref<25x400xi32, #tpu.memory_space<vmem>> -> memref<1x400xi32, #tpu.memory_space<vmem>>
        %dma_start3A_30 = tpu.memref_squeeze %dma_start3A_29 : memref<1x400xi32, #tpu.memory_space<vmem>> -> memref<400xi32, #tpu.memory_space<vmem>>
        %dma_start3A_31 = arith.constant 0 : i32
        %dma_start3A_32 = arith.constant 0 : i32
        %dma_start3A_33 = tpu.memref_slice %arg10[%dma_start3A_31, %dma_start3A_32] : memref<10112x64xf32, #tpu.memory_space<vmem_shared>> -> memref<10112x64xf32, #tpu.memory_space<vmem_shared>>
        tpu.enqueue_indirect_dma source(%arg9 : memref<400x64xf32, #tpu.memory_space<vmem>>) target(%dma_start3A_33 : memref<10112x64xf32, #tpu.memory_space<vmem_shared>>) offsets(%dma_start3A_30 : memref<400xi32, #tpu.memory_space<vmem>>) semaphore(%run_scoped3A : memref<!tpu.dma_semaphore, #tpu.memory_space<semaphore_mem>>) {add = true}
        %dma_wait3A_34 = arith.constant 0 : i32
        %dma_wait3A_35 = tpu.memref_slice %arg8[%scan3A_17, %dma_wait3A_34] : memref<25x400xi32, #tpu.memory_space<vmem>> -> memref<1x400xi32, #tpu.memory_space<vmem>>
        %dma_wait3A_36 = tpu.memref_squeeze %dma_wait3A_35 : memref<1x400xi32, #tpu.memory_space<vmem>> -> memref<400xi32, #tpu.memory_space<vmem>>
        %dma_wait3A_37 = arith.constant 0 : i32
        %dma_wait3A_38 = arith.constant 0 : i32
        %dma_wait3A_39 = tpu.memref_slice %arg10[%dma_wait3A_37, %dma_wait3A_38] : memref<10112x64xf32, #tpu.memory_space<vmem_shared>> -> memref<10112x64xf32, #tpu.memory_space<vmem_shared>>
        tpu.wait_indirect_dma semaphore(%run_scoped3A : memref<!tpu.dma_semaphore, #tpu.memory_space<semaphore_mem>>) src(%arg9 : memref<400x64xf32, #tpu.memory_space<vmem>>) dst(%dma_wait3A_39 : memref<10112x64xf32, #tpu.memory_space<vmem_shared>>)
        tpu.yield
      }) : () -> ()
    }
    %scan3A_11 = arith.constant 25 : i32
    %barrier3A_12 = arith.constant 0 : index
    tpu.barrier barrier_id(%barrier3A_12)
    %mul3A_13 = arith.constant 632 : i32
    %mul3A_14 = arith.muli %arg1, %mul3A_13 : i32
    %mul3A_15 = arith.constant 632 : i32
    %mul3A_16 = arith.muli %arg1, %mul3A_15 : i32
    "tpu.region"() ({
      %run_scoped3A = tpu.sem_alloc : memref<!tpu.dma_semaphore, #tpu.memory_space<semaphore_mem>>
      %dma_start3A = arith.constant 0 : i32
      %dma_start3A_17 = tpu.memref_slice %arg6[%arg0, %mul3A_16, %dma_start3A] : memref<2x10112x64xf32, #tpu.memory_space<hbm>> -> memref<1x632x64xf32, #tpu.memory_space<hbm>>
      %dma_start3A_18 = tpu.memref_squeeze %dma_start3A_17 : memref<1x632x64xf32, #tpu.memory_space<hbm>> -> memref<632x64xf32, #tpu.memory_space<hbm>>
      %dma_start3A_19 = arith.constant 0 : i32
      %dma_start3A_20 = tpu.memref_slice %arg10[%mul3A_14, %dma_start3A_19] : memref<10112x64xf32, #tpu.memory_space<vmem_shared>> -> memref<632x64xf32, #tpu.memory_space<vmem_shared>>
      tpu.enqueue_dma source(%dma_start3A_20 : memref<632x64xf32, #tpu.memory_space<vmem_shared>>) target(%dma_start3A_18 : memref<632x64xf32, #tpu.memory_space<hbm>>) target_semaphore(%run_scoped3A : memref<!tpu.dma_semaphore, #tpu.memory_space<semaphore_mem>>)
      %dma_wait3A = arith.constant 0 : i32
      %dma_wait3A_21 = tpu.memref_slice %arg6[%arg0, %mul3A_16, %dma_wait3A] : memref<2x10112x64xf32, #tpu.memory_space<hbm>> -> memref<1x632x64xf32, #tpu.memory_space<hbm>>
      %dma_wait3A_22 = tpu.memref_squeeze %dma_wait3A_21 : memref<1x632x64xf32, #tpu.memory_space<hbm>> -> memref<632x64xf32, #tpu.memory_space<hbm>>
      %dma_wait3A_23 = arith.constant 0 : i32
      %dma_wait3A_24 = tpu.memref_slice %arg10[%mul3A_14, %dma_wait3A_23] : memref<10112x64xf32, #tpu.memory_space<vmem_shared>> -> memref<632x64xf32, #tpu.memory_space<vmem_shared>>
      tpu.wait_dma2 semaphore(%run_scoped3A : memref<!tpu.dma_semaphore, #tpu.memory_space<semaphore_mem>>) src(%dma_wait3A_24 : memref<632x64xf32, #tpu.memory_space<vmem_shared>>) dst(%dma_wait3A_22 : memref<632x64xf32, #tpu.memory_space<hbm>>)
      tpu.yield
    }) : () -> ()
    return
  }
}

#map = affine_map<(d0, d1) -> (0, 0)>
#map1 = affine_map<(d0, d1) -> (0, 0, 0)>
module attributes {stable_mosaic.version = 14 : i64} {
  func.func @k(%arg0: i32, %arg1: i32, %arg2: memref<10112x64xf32, #tpu.memory_space<hbm>>, %arg3: memref<32x25x400xi32, #tpu.memory_space<hbm>>, %arg4: memref<32x25x400xi32, #tpu.memory_space<hbm>>, %arg5: memref<632x64xf32, #tpu.memory_space<hbm>>, %arg6: memref<2x10112x64xf32, #tpu.memory_space<hbm>>, %arg7: memref<25x400xi32, #tpu.memory_space<vmem>>, %arg8: memref<25x400xi32, #tpu.memory_space<vmem>>, %arg9: memref<400x64xf32, #tpu.memory_space<vmem>>, %arg10: memref<10112x64xf32, #tpu.memory_space<vmem_shared>>, %arg11: memref<10112x64xf32, #tpu.memory_space<vmem_shared>>, %arg12: memref<!tpu.dma_semaphore, #tpu.memory_space<semaphore_mem>>) attributes {dimension_semantics = [#tpu.dimension_semantics<core_parallel>, #tpu.dimension_semantics<subcore_parallel>], iteration_bounds = array<i64: 2, 16>, scalar_prefetch = 0 : i64, scratch_operands = 6 : i64, tpu.core_type = #tpu.core_type<sc_vector_subcore>, window_params = [{transform_indices = #map}, {transform_indices = #map1}, {transform_indices = #map1}, {transform_indices = #map}, {transform_indices = #map1}]} {
    %mul3A = arith.constant 2 : i32
    %mul3A_0 = arith.muli %arg1, %mul3A : i32
    %add3A = arith.addi %mul3A_0, %arg0 : i32
    %mul3A_1 = arith.constant 632 : i32
    %mul3A_2 = arith.muli %arg1, %mul3A_1 : i32
    "tpu.region"() ({
      %run_scoped3A = tpu.sem_alloc : memref<!tpu.dma_semaphore, #tpu.memory_space<semaphore_mem>>
      %dma_start3A = arith.constant 0 : i32
      %dma_start3A_17 = tpu.memref_slice %arg10[%mul3A_2, %dma_start3A] : memref<10112x64xf32, #tpu.memory_space<vmem_shared>> -> memref<632x64xf32, #tpu.memory_space<vmem_shared>>
      tpu.enqueue_dma source(%arg5 : memref<632x64xf32, #tpu.memory_space<hbm>>) target(%dma_start3A_17 : memref<632x64xf32, #tpu.memory_space<vmem_shared>>) target_semaphore(%run_scoped3A : memref<!tpu.dma_semaphore, #tpu.memory_space<semaphore_mem>>)
      %dma_wait3A = arith.constant 0 : i32
      %dma_wait3A_18 = tpu.memref_slice %arg10[%mul3A_2, %dma_wait3A] : memref<10112x64xf32, #tpu.memory_space<vmem_shared>> -> memref<632x64xf32, #tpu.memory_space<vmem_shared>>
      tpu.wait_dma2 semaphore(%run_scoped3A : memref<!tpu.dma_semaphore, #tpu.memory_space<semaphore_mem>>) src(%arg5 : memref<632x64xf32, #tpu.memory_space<hbm>>) dst(%dma_wait3A_18 : memref<632x64xf32, #tpu.memory_space<vmem_shared>>)
      tpu.yield
    }) : () -> ()
    %mul3A_3 = arith.constant 632 : i32
    %mul3A_4 = arith.muli %arg1, %mul3A_3 : i32
    %mul3A_5 = arith.constant 632 : i32
    %mul3A_6 = arith.muli %arg1, %mul3A_5 : i32
    "tpu.region"() ({
      %run_scoped3A = tpu.sem_alloc : memref<!tpu.dma_semaphore, #tpu.memory_space<semaphore_mem>>
      %dma_start3A = arith.constant 0 : i32
      %dma_start3A_17 = tpu.memref_slice %arg11[%mul3A_6, %dma_start3A] : memref<10112x64xf32, #tpu.memory_space<vmem_shared>> -> memref<632x64xf32, #tpu.memory_space<vmem_shared>>
      %dma_start3A_18 = arith.constant 0 : i32
      %dma_start3A_19 = tpu.memref_slice %arg2[%mul3A_4, %dma_start3A_18] : memref<10112x64xf32, #tpu.memory_space<hbm>> -> memref<632x64xf32, #tpu.memory_space<hbm>>
      tpu.enqueue_dma source(%dma_start3A_19 : memref<632x64xf32, #tpu.memory_space<hbm>>) target(%dma_start3A_17 : memref<632x64xf32, #tpu.memory_space<vmem_shared>>) target_semaphore(%run_scoped3A : memref<!tpu.dma_semaphore, #tpu.memory_space<semaphore_mem>>)
      %dma_wait3A = arith.constant 0 : i32
      %dma_wait3A_20 = tpu.memref_slice %arg11[%mul3A_6, %dma_wait3A] : memref<10112x64xf32, #tpu.memory_space<vmem_shared>> -> memref<632x64xf32, #tpu.memory_space<vmem_shared>>
      %dma_wait3A_21 = arith.constant 0 : i32
      %dma_wait3A_22 = tpu.memref_slice %arg2[%mul3A_4, %dma_wait3A_21] : memref<10112x64xf32, #tpu.memory_space<hbm>> -> memref<632x64xf32, #tpu.memory_space<hbm>>
      tpu.wait_dma2 semaphore(%run_scoped3A : memref<!tpu.dma_semaphore, #tpu.memory_space<semaphore_mem>>) src(%dma_wait3A_22 : memref<632x64xf32, #tpu.memory_space<hbm>>) dst(%dma_wait3A_20 : memref<632x64xf32, #tpu.memory_space<vmem_shared>>)
      tpu.yield
    }) : () -> ()
    "tpu.region"() ({
      %run_scoped3A = tpu.sem_alloc : memref<!tpu.dma_semaphore, #tpu.memory_space<semaphore_mem>>
      %dma_start3A = arith.constant 0 : i32
      %dma_start3A_17 = arith.constant 0 : i32
      %dma_start3A_18 = tpu.memref_slice %arg3[%add3A, %dma_start3A, %dma_start3A_17] : memref<32x25x400xi32, #tpu.memory_space<hbm>> -> memref<1x25x400xi32, #tpu.memory_space<hbm>>
      %dma_start3A_19 = tpu.memref_squeeze %dma_start3A_18 : memref<1x25x400xi32, #tpu.memory_space<hbm>> -> memref<25x400xi32, #tpu.memory_space<hbm>>
      %dma_start3A_20 = arith.constant 0 : i32
      %dma_start3A_21 = arith.constant 0 : i32
      %dma_start3A_22 = tpu.memref_slice %arg3[%add3A, %dma_start3A_20, %dma_start3A_21] : memref<32x25x400xi32, #tpu.memory_space<hbm>> -> memref<1x25x400xi32, #tpu.memory_space<hbm>>
      %dma_start3A_23 = tpu.memref_squeeze %dma_start3A_22 : memref<1x25x400xi32, #tpu.memory_space<hbm>> -> memref<25x400xi32, #tpu.memory_space<hbm>>
      tpu.enqueue_dma source(%dma_start3A_23 : memref<25x400xi32, #tpu.memory_space<hbm>>) target(%arg7 : memref<25x400xi32, #tpu.memory_space<vmem>>) target_semaphore(%run_scoped3A : memref<!tpu.dma_semaphore, #tpu.memory_space<semaphore_mem>>)
      %dma_wait3A = arith.constant 0 : i32
      %dma_wait3A_24 = arith.constant 0 : i32
      %dma_wait3A_25 = tpu.memref_slice %arg3[%add3A, %dma_wait3A, %dma_wait3A_24] : memref<32x25x400xi32, #tpu.memory_space<hbm>> -> memref<1x25x400xi32, #tpu.memory_space<hbm>>
      %dma_wait3A_26 = tpu.memref_squeeze %dma_wait3A_25 : memref<1x25x400xi32, #tpu.memory_space<hbm>> -> memref<25x400xi32, #tpu.memory_space<hbm>>
      %dma_wait3A_27 = arith.constant 0 : i32
      %dma_wait3A_28 = arith.constant 0 : i32
      %dma_wait3A_29 = tpu.memref_slice %arg3[%add3A, %dma_wait3A_27, %dma_wait3A_28] : memref<32x25x400xi32, #tpu.memory_space<hbm>> -> memref<1x25x400xi32, #tpu.memory_space<hbm>>
      %dma_wait3A_30 = tpu.memref_squeeze %dma_wait3A_29 : memref<1x25x400xi32, #tpu.memory_space<hbm>> -> memref<25x400xi32, #tpu.memory_space<hbm>>
      tpu.wait_dma2 semaphore(%run_scoped3A : memref<!tpu.dma_semaphore, #tpu.memory_space<semaphore_mem>>) src(%dma_wait3A_30 : memref<25x400xi32, #tpu.memory_space<hbm>>) dst(%arg7 : memref<25x400xi32, #tpu.memory_space<vmem>>)
      tpu.yield
    }) : () -> ()
    "tpu.region"() ({
      %run_scoped3A = tpu.sem_alloc : memref<!tpu.dma_semaphore, #tpu.memory_space<semaphore_mem>>
      %dma_start3A = arith.constant 0 : i32
      %dma_start3A_17 = arith.constant 0 : i32
      %dma_start3A_18 = tpu.memref_slice %arg4[%add3A, %dma_start3A, %dma_start3A_17] : memref<32x25x400xi32, #tpu.memory_space<hbm>> -> memref<1x25x400xi32, #tpu.memory_space<hbm>>
      %dma_start3A_19 = tpu.memref_squeeze %dma_start3A_18 : memref<1x25x400xi32, #tpu.memory_space<hbm>> -> memref<25x400xi32, #tpu.memory_space<hbm>>
      %dma_start3A_20 = arith.constant 0 : i32
      %dma_start3A_21 = arith.constant 0 : i32
      %dma_start3A_22 = tpu.memref_slice %arg4[%add3A, %dma_start3A_20, %dma_start3A_21] : memref<32x25x400xi32, #tpu.memory_space<hbm>> -> memref<1x25x400xi32, #tpu.memory_space<hbm>>
      %dma_start3A_23 = tpu.memref_squeeze %dma_start3A_22 : memref<1x25x400xi32, #tpu.memory_space<hbm>> -> memref<25x400xi32, #tpu.memory_space<hbm>>
      tpu.enqueue_dma source(%dma_start3A_23 : memref<25x400xi32, #tpu.memory_space<hbm>>) target(%arg8 : memref<25x400xi32, #tpu.memory_space<vmem>>) target_semaphore(%run_scoped3A : memref<!tpu.dma_semaphore, #tpu.memory_space<semaphore_mem>>)
      %dma_wait3A = arith.constant 0 : i32
      %dma_wait3A_24 = arith.constant 0 : i32
      %dma_wait3A_25 = tpu.memref_slice %arg4[%add3A, %dma_wait3A, %dma_wait3A_24] : memref<32x25x400xi32, #tpu.memory_space<hbm>> -> memref<1x25x400xi32, #tpu.memory_space<hbm>>
      %dma_wait3A_26 = tpu.memref_squeeze %dma_wait3A_25 : memref<1x25x400xi32, #tpu.memory_space<hbm>> -> memref<25x400xi32, #tpu.memory_space<hbm>>
      %dma_wait3A_27 = arith.constant 0 : i32
      %dma_wait3A_28 = arith.constant 0 : i32
      %dma_wait3A_29 = tpu.memref_slice %arg4[%add3A, %dma_wait3A_27, %dma_wait3A_28] : memref<32x25x400xi32, #tpu.memory_space<hbm>> -> memref<1x25x400xi32, #tpu.memory_space<hbm>>
      %dma_wait3A_30 = tpu.memref_squeeze %dma_wait3A_29 : memref<1x25x400xi32, #tpu.memory_space<hbm>> -> memref<25x400xi32, #tpu.memory_space<hbm>>
      tpu.wait_dma2 semaphore(%run_scoped3A : memref<!tpu.dma_semaphore, #tpu.memory_space<semaphore_mem>>) src(%dma_wait3A_30 : memref<25x400xi32, #tpu.memory_space<hbm>>) dst(%arg8 : memref<25x400xi32, #tpu.memory_space<vmem>>)
      tpu.yield
    }) : () -> ()
    %barrier3A = arith.constant 0 : index
    tpu.barrier barrier_id(%barrier3A)
    %scan3A = arith.constant 0 : i32
    %scan3A_7 = arith.constant 0 : i32
    %scan3A_8 = arith.constant 25 : i32
    %scan3A_9 = arith.addi %scan3A_7, %scan3A_8 : i32
    %scan3A_10 = arith.constant 1 : i32
    scf.for %scan3A_17 = %scan3A_7 to %scan3A_9 step %scan3A_10  : i32 {
      %dma_start3A = arith.constant 0 : i32
      %dma_start3A_18 = tpu.memref_slice %arg7[%scan3A_17, %dma_start3A] : memref<25x400xi32, #tpu.memory_space<vmem>> -> memref<1x400xi32, #tpu.memory_space<vmem>>
      %dma_start3A_19 = tpu.memref_squeeze %dma_start3A_18 : memref<1x400xi32, #tpu.memory_space<vmem>> -> memref<400xi32, #tpu.memory_space<vmem>>
      %dma_start3A_20 = arith.constant 0 : i32
      %dma_start3A_21 = arith.constant 0 : i32
      %dma_start3A_22 = tpu.memref_slice %arg11[%dma_start3A_20, %dma_start3A_21] : memref<10112x64xf32, #tpu.memory_space<vmem_shared>> -> memref<10112x64xf32, #tpu.memory_space<vmem_shared>>
      tpu.enqueue_indirect_dma source(%dma_start3A_22 : memref<10112x64xf32, #tpu.memory_space<vmem_shared>>) target(%arg9 : memref<400x64xf32, #tpu.memory_space<vmem>>) offsets(%dma_start3A_19 : memref<400xi32, #tpu.memory_space<vmem>>) semaphore(%arg12 : memref<!tpu.dma_semaphore, #tpu.memory_space<semaphore_mem>>)
      %dma_wait3A = arith.constant 0 : i32
      %dma_wait3A_23 = tpu.memref_slice %arg7[%scan3A_17, %dma_wait3A] : memref<25x400xi32, #tpu.memory_space<vmem>> -> memref<1x400xi32, #tpu.memory_space<vmem>>
      %dma_wait3A_24 = tpu.memref_squeeze %dma_wait3A_23 : memref<1x400xi32, #tpu.memory_space<vmem>> -> memref<400xi32, #tpu.memory_space<vmem>>
      %dma_wait3A_25 = arith.constant 0 : i32
      %dma_wait3A_26 = arith.constant 0 : i32
      %dma_wait3A_27 = tpu.memref_slice %arg11[%dma_wait3A_25, %dma_wait3A_26] : memref<10112x64xf32, #tpu.memory_space<vmem_shared>> -> memref<10112x64xf32, #tpu.memory_space<vmem_shared>>
      tpu.wait_indirect_dma semaphore(%arg12 : memref<!tpu.dma_semaphore, #tpu.memory_space<semaphore_mem>>) src(%dma_wait3A_27 : memref<10112x64xf32, #tpu.memory_space<vmem_shared>>) dst(%arg9 : memref<400x64xf32, #tpu.memory_space<vmem>>)
      "tpu.region"() ({
        %run_scoped3A = tpu.sem_alloc : memref<!tpu.dma_semaphore, #tpu.memory_space<semaphore_mem>>
        %dma_start3A_28 = arith.constant 0 : i32
        %dma_start3A_29 = tpu.memref_slice %arg8[%scan3A_17, %dma_start3A_28] : memref<25x400xi32, #tpu.memory_space<vmem>> -> memref<1x400xi32, #tpu.memory_space<vmem>>
        %dma_start3A_30 = tpu.memref_squeeze %dma_start3A_29 : memref<1x400xi32, #tpu.memory_space<vmem>> -> memref<400xi32, #tpu.memory_space<vmem>>
        %dma_start3A_31 = arith.constant 0 : i32
        %dma_start3A_32 = arith.constant 0 : i32
        %dma_start3A_33 = tpu.memref_slice %arg10[%dma_start3A_31, %dma_start3A_32] : memref<10112x64xf32, #tpu.memory_space<vmem_shared>> -> memref<10112x64xf32, #tpu.memory_space<vmem_shared>>
        tpu.enqueue_indirect_dma source(%arg9 : memref<400x64xf32, #tpu.memory_space<vmem>>) target(%dma_start3A_33 : memref<10112x64xf32, #tpu.memory_space<vmem_shared>>) offsets(%dma_start3A_30 : memref<400xi32, #tpu.memory_space<vmem>>) semaphore(%run_scoped3A : memref<!tpu.dma_semaphore, #tpu.memory_space<semaphore_mem>>) {add = true}
        %dma_wait3A_34 = arith.constant 0 : i32
        %dma_wait3A_35 = tpu.memref_slice %arg8[%scan3A_17, %dma_wait3A_34] : memref<25x400xi32, #tpu.memory_space<vmem>> -> memref<1x400xi32, #tpu.memory_space<vmem>>
        %dma_wait3A_36 = tpu.memref_squeeze %dma_wait3A_35 : memref<1x400xi32, #tpu.memory_space<vmem>> -> memref<400xi32, #tpu.memory_space<vmem>>
        %dma_wait3A_37 = arith.constant 0 : i32
        %dma_wait3A_38 = arith.constant 0 : i32
        %dma_wait3A_39 = tpu.memref_slice %arg10[%dma_wait3A_37, %dma_wait3A_38] : memref<10112x64xf32, #tpu.memory_space<vmem_shared>> -> memref<10112x64xf32, #tpu.memory_space<vmem_shared>>
        tpu.wait_indirect_dma semaphore(%run_scoped3A : memref<!tpu.dma_semaphore, #tpu.memory_space<semaphore_mem>>) src(%arg9 : memref<400x64xf32, #tpu.memory_space<vmem>>) dst(%dma_wait3A_39 : memref<10112x64xf32, #tpu.memory_space<vmem_shared>>)
        tpu.yield
      }) : () -> ()
    }
    %scan3A_11 = arith.constant 25 : i32
    %barrier3A_12 = arith.constant 0 : index
    tpu.barrier barrier_id(%barrier3A_12)
    %mul3A_13 = arith.constant 632 : i32
    %mul3A_14 = arith.muli %arg1, %mul3A_13 : i32
    %mul3A_15 = arith.constant 632 : i32
    %mul3A_16 = arith.muli %arg1, %mul3A_15 : i32
    "tpu.region"() ({
      %run_scoped3A = tpu.sem_alloc : memref<!tpu.dma_semaphore, #tpu.memory_space<semaphore_mem>>
      %dma_start3A = arith.constant 0 : i32
      %dma_start3A_17 = tpu.memref_slice %arg6[%arg0, %mul3A_16, %dma_start3A] : memref<2x10112x64xf32, #tpu.memory_space<hbm>> -> memref<1x632x64xf32, #tpu.memory_space<hbm>>
      %dma_start3A_18 = tpu.memref_squeeze %dma_start3A_17 : memref<1x632x64xf32, #tpu.memory_space<hbm>> -> memref<632x64xf32, #tpu.memory_space<hbm>>
      %dma_start3A_19 = arith.constant 0 : i32
      %dma_start3A_20 = tpu.memref_slice %arg10[%mul3A_14, %dma_start3A_19] : memref<10112x64xf32, #tpu.memory_space<vmem_shared>> -> memref<632x64xf32, #tpu.memory_space<vmem_shared>>
      tpu.enqueue_dma source(%dma_start3A_20 : memref<632x64xf32, #tpu.memory_space<vmem_shared>>) target(%dma_start3A_18 : memref<632x64xf32, #tpu.memory_space<hbm>>) target_semaphore(%run_scoped3A : memref<!tpu.dma_semaphore, #tpu.memory_space<semaphore_mem>>)
      %dma_wait3A = arith.constant 0 : i32
      %dma_wait3A_21 = tpu.memref_slice %arg6[%arg0, %mul3A_16, %dma_wait3A] : memref<2x10112x64xf32, #tpu.memory_space<hbm>> -> memref<1x632x64xf32, #tpu.memory_space<hbm>>
      %dma_wait3A_22 = tpu.memref_squeeze %dma_wait3A_21 : memref<1x632x64xf32, #tpu.memory_space<hbm>> -> memref<632x64xf32, #tpu.memory_space<hbm>>
      %dma_wait3A_23 = arith.constant 0 : i32
      %dma_wait3A_24 = tpu.memref_slice %arg10[%mul3A_14, %dma_wait3A_23] : memref<10112x64xf32, #tpu.memory_space<vmem_shared>> -> memref<632x64xf32, #tpu.memory_space<vmem_shared>>
      tpu.wait_dma2 semaphore(%run_scoped3A : memref<!tpu.dma_semaphore, #tpu.memory_space<semaphore_mem>>) src(%dma_wait3A_24 : memref<632x64xf32, #tpu.memory_space<vmem_shared>>) dst(%dma_wait3A_22 : memref<632x64xf32, #tpu.memory_space<hbm>>)
      tpu.yield
    }) : () -> ()
    return
  }
}

module attributes {stable_mosaic.version = 14 : i64} {
  func.func @_tc1_body(%arg0: memref<10000x128xf32, #tpu.memory_space<vmem>>, %arg1: memref<128x64xf32, #tpu.memory_space<vmem>>, %arg2: memref<128x64xf32, #tpu.memory_space<vmem>>, %arg3: memref<1x64xf32, #tpu.memory_space<vmem>>, %arg4: memref<10112x64xf32, #tpu.memory_space<vmem>>, %arg5: memref<10000x64xf32, #tpu.memory_space<vmem>>) attributes {dimension_semantics = [], scalar_prefetch = 0 : i64, scratch_operands = 0 : i64, tpu.core_type = #tpu.core_type<tc>} {
    %get3A = arith.constant 0 : index
    %get3A_0 = arith.constant 0 : index
    %get3A_1 = vector.load %arg0[%get3A, %get3A_0] : memref<10000x128xf32, #tpu.memory_space<vmem>>, vector<10000x128xf32>
    %get3A_2 = arith.constant 0 : index
    %get3A_3 = arith.constant 0 : index
    %get3A_4 = vector.load %arg1[%get3A_2, %get3A_3] : memref<128x64xf32, #tpu.memory_space<vmem>>, vector<128x64xf32>
    %dot_general3A = arith.constant dense<0.000000e+00> : vector<10000x64xf32>
    %dot_general3A_5 = tpu.matmul %get3A_1, %get3A_4, %dot_general3A {dimension_numbers = #tpu.dot_dimension_numbers<[1], [0], [0], [1], [0, 0, 1, 1], [], []>, transpose_lhs_hint = false} : vector<10000x128xf32>, vector<128x64xf32>, vector<10000x64xf32> -> vector<10000x64xf32>
    %swap3A = arith.constant 0 : index
    %swap3A_6 = arith.constant 0 : index
    %swap3A_7 = vector.load %arg4[%swap3A, %swap3A_6] : memref<10112x64xf32, #tpu.memory_space<vmem>>, vector<10000x64xf32>
    tpu.vector_store %arg4[%swap3A, %swap3A_6], %dot_general3A_5 {strides = array<i32>} : memref<10112x64xf32, #tpu.memory_space<vmem>>, vector<10000x64xf32>,
    %get3A_8 = arith.constant 0 : index
    %get3A_9 = arith.constant 0 : index
    %get3A_10 = vector.load %arg2[%get3A_8, %get3A_9] : memref<128x64xf32, #tpu.memory_space<vmem>>, vector<128x64xf32>
    %dot_general3A_11 = arith.constant dense<0.000000e+00> : vector<10000x64xf32>
    %dot_general3A_12 = tpu.matmul %get3A_1, %get3A_10, %dot_general3A_11 {dimension_numbers = #tpu.dot_dimension_numbers<[1], [0], [0], [1], [0, 0, 1, 1], [], []>, transpose_lhs_hint = false} : vector<10000x128xf32>, vector<128x64xf32>, vector<10000x64xf32> -> vector<10000x64xf32>
    %get3A_13 = arith.constant 0 : index
    %get3A_14 = arith.constant 0 : index
    %get3A_15 = vector.load %arg3[%get3A_13, %get3A_14] : memref<1x64xf32, #tpu.memory_space<vmem>>, vector<1x64xf32>
    %add3A = vector.broadcast %get3A_15 : vector<1x64xf32> to vector<10000x64xf32>
    %add3A_16 = arith.addf %dot_general3A_12, %add3A : vector<10000x64xf32>
    %max3A = arith.constant 0.000000e+00 : f32
    %max3A_17 = vector.broadcast %max3A : f32 to vector<10000x64xf32>
    %max3A_18 = arith.maximumf %add3A_16, %max3A_17 : vector<10000x64xf32>
    %swap3A_19 = arith.constant 0 : index
    %swap3A_20 = arith.constant 0 : index
    %swap3A_21 = vector.load %arg5[%swap3A_19, %swap3A_20] : memref<10000x64xf32, #tpu.memory_space<vmem>>, vector<10000x64xf32>
    tpu.vector_store %arg5[%swap3A_19, %swap3A_20], %max3A_18 {strides = array<i32>} : memref<10000x64xf32, #tpu.memory_space<vmem>>, vector<10000x64xf32>,
    return
  }
}

module attributes {stable_mosaic.version = 14 : i64} {
  func.func @_tc2_body(%arg0: memref<2x10112x64xf32, #tpu.memory_space<vmem>>, %arg1: memref<10000x64xf32, #tpu.memory_space<vmem>>, %arg2: memref<1x64xf32, #tpu.memory_space<vmem>>, %arg3: memref<1x64xf32, #tpu.memory_space<vmem>>, %arg4: memref<1x64xf32, #tpu.memory_space<vmem>>, %arg5: memref<64x64xf32, #tpu.memory_space<vmem>>, %arg6: memref<1x64xf32, #tpu.memory_space<vmem>>, %arg7: memref<10112x64xf32, #tpu.memory_space<vmem>>, %arg8: memref<10000x64xf32, #tpu.memory_space<vmem>>) attributes {dimension_semantics = [], scalar_prefetch = 0 : i64, scratch_operands = 0 : i64, tpu.core_type = #tpu.core_type<tc>} {
    %get3A = arith.constant 0 : index
    %get3A_0 = arith.constant 0 : index
    %get3A_1 = arith.constant 0 : index
    %get3A_2 = vector.load %arg0[%get3A, %get3A_0, %get3A_1] : memref<2x10112x64xf32, #tpu.memory_space<vmem>>, vector<1x10000x64xf32>
    %get3A_3 = vector.shape_cast %get3A_2 : vector<1x10000x64xf32> to vector<10000x64xf32>
    %get3A_4 = arith.constant 1 : index
    %get3A_5 = arith.constant 0 : index
    %get3A_6 = arith.constant 0 : index
    %get3A_7 = vector.load %arg0[%get3A_4, %get3A_5, %get3A_6] : memref<2x10112x64xf32, #tpu.memory_space<vmem>>, vector<1x10000x64xf32>
    %get3A_8 = vector.shape_cast %get3A_7 : vector<1x10000x64xf32> to vector<10000x64xf32>
    %add3A = arith.addf %get3A_3, %get3A_8 : vector<10000x64xf32>
    %get3A_9 = arith.constant 0 : index
    %get3A_10 = arith.constant 0 : index
    %get3A_11 = vector.load %arg2[%get3A_9, %get3A_10] : memref<1x64xf32, #tpu.memory_space<vmem>>, vector<1x64xf32>
    %add3A_12 = vector.broadcast %get3A_11 : vector<1x64xf32> to vector<10000x64xf32>
    %add3A_13 = arith.addf %add3A, %add3A_12 : vector<10000x64xf32>
    %max3A = arith.constant 0.000000e+00 : f32
    %max3A_14 = vector.broadcast %max3A : f32 to vector<10000x64xf32>
    %max3A_15 = arith.maximumf %add3A_13, %max3A_14 : vector<10000x64xf32>
    %get3A_16 = arith.constant 0 : index
    %get3A_17 = arith.constant 0 : index
    %get3A_18 = vector.load %arg1[%get3A_16, %get3A_17] : memref<10000x64xf32, #tpu.memory_space<vmem>>, vector<10000x64xf32>
    %add3A_19 = arith.addf %max3A_15, %get3A_18 : vector<10000x64xf32>
    %get3A_20 = arith.constant 0 : index
    %get3A_21 = arith.constant 0 : index
    %get3A_22 = vector.load %arg3[%get3A_20, %get3A_21] : memref<1x64xf32, #tpu.memory_space<vmem>>, vector<1x64xf32>
    %get3A_23 = arith.constant 0 : index
    %get3A_24 = arith.constant 0 : index
    %get3A_25 = vector.load %arg4[%get3A_23, %get3A_24] : memref<1x64xf32, #tpu.memory_space<vmem>>, vector<1x64xf32>
    %reduce_sum3A = arith.constant dense<0.000000e+00> : vector<64xf32>
    %reduce_sum3A_26 = vector.multi_reduction <add>, %add3A_19, %reduce_sum3A [0] : vector<10000x64xf32> to vector<64xf32>
    %broadcast_in_dim3A = vector.shape_cast %reduce_sum3A_26 : vector<64xf32> to vector<1x64xf32>
    %div3A = arith.constant 1.000000e+04 : f32
    %div3A_27 = vector.broadcast %div3A : f32 to vector<1x64xf32>
    %div3A_28 = arith.divf %broadcast_in_dim3A, %div3A_27 : vector<1x64xf32>
    %sub3A = vector.broadcast %div3A_28 : vector<1x64xf32> to vector<10000x64xf32>
    %sub3A_29 = arith.subf %add3A_19, %sub3A : vector<10000x64xf32>
    %sub3A_30 = vector.broadcast %div3A_28 : vector<1x64xf32> to vector<10000x64xf32>
    %sub3A_31 = arith.subf %add3A_19, %sub3A_30 : vector<10000x64xf32>
    %mul3A = arith.mulf %sub3A_29, %sub3A_31 : vector<10000x64xf32>
    %reduce_sum3A_32 = arith.constant dense<0.000000e+00> : vector<64xf32>
    %reduce_sum3A_33 = vector.multi_reduction <add>, %mul3A, %reduce_sum3A_32 [0] : vector<10000x64xf32> to vector<64xf32>
    %broadcast_in_dim3A_34 = vector.shape_cast %reduce_sum3A_33 : vector<64xf32> to vector<1x64xf32>
    %div3A_35 = arith.constant 1.000000e+04 : f32
    %div3A_36 = vector.broadcast %div3A_35 : f32 to vector<1x64xf32>
    %div3A_37 = arith.divf %broadcast_in_dim3A_34, %div3A_36 : vector<1x64xf32>
    %sub3A_38 = vector.broadcast %div3A_28 : vector<1x64xf32> to vector<10000x64xf32>
    %sub3A_39 = arith.subf %add3A_19, %sub3A_38 : vector<10000x64xf32>
    %add3A_40 = arith.constant 9.99999974E-6 : f32
    %add3A_41 = vector.broadcast %add3A_40 : f32 to vector<1x64xf32>
    %add3A_42 = arith.addf %div3A_37, %add3A_41 : vector<1x64xf32>
    %sqrt3A = math.sqrt %add3A_42 : vector<1x64xf32>
    %div3A_43 = vector.broadcast %sqrt3A : vector<1x64xf32> to vector<10000x64xf32>
    %div3A_44 = arith.divf %sub3A_39, %div3A_43 : vector<10000x64xf32>
    %mul3A_45 = vector.broadcast %get3A_22 : vector<1x64xf32> to vector<10000x64xf32>
    %mul3A_46 = arith.mulf %div3A_44, %mul3A_45 : vector<10000x64xf32>
    %add3A_47 = vector.broadcast %get3A_25 : vector<1x64xf32> to vector<10000x64xf32>
    %add3A_48 = arith.addf %mul3A_46, %add3A_47 : vector<10000x64xf32>
    %swap3A = arith.constant 0 : index
    %swap3A_49 = arith.constant 0 : index
    %swap3A_50 = vector.load %arg7[%swap3A, %swap3A_49] : memref<10112x64xf32, #tpu.memory_space<vmem>>, vector<10000x64xf32>
    tpu.vector_store %arg7[%swap3A, %swap3A_49], %add3A_48 {strides = array<i32>} : memref<10112x64xf32, #tpu.memory_space<vmem>>, vector<10000x64xf32>,
    %get3A_51 = arith.constant 0 : index
    %get3A_52 = arith.constant 0 : index
    %get3A_53 = vector.load %arg5[%get3A_51, %get3A_52] : memref<64x64xf32, #tpu.memory_space<vmem>>, vector<64x64xf32>
    %dot_general3A = arith.constant dense<0.000000e+00> : vector<10000x64xf32>
    %dot_general3A_54 = tpu.matmul %add3A_48, %get3A_53, %dot_general3A {dimension_numbers = #tpu.dot_dimension_numbers<[1], [0], [0], [1], [0, 0, 1, 1], [], []>, transpose_lhs_hint = false} : vector<10000x64xf32>, vector<64x64xf32>, vector<10000x64xf32> -> vector<10000x64xf32>
    %get3A_55 = arith.constant 0 : index
    %get3A_56 = arith.constant 0 : index
    %get3A_57 = vector.load %arg6[%get3A_55, %get3A_56] : memref<1x64xf32, #tpu.memory_space<vmem>>, vector<1x64xf32>
    %add3A_58 = vector.broadcast %get3A_57 : vector<1x64xf32> to vector<10000x64xf32>
    %add3A_59 = arith.addf %dot_general3A_54, %add3A_58 : vector<10000x64xf32>
    %max3A_60 = arith.constant 0.000000e+00 : f32
    %max3A_61 = vector.broadcast %max3A_60 : f32 to vector<10000x64xf32>
    %max3A_62 = arith.maximumf %add3A_59, %max3A_61 : vector<10000x64xf32>
    %swap3A_63 = arith.constant 0 : index
    %swap3A_64 = arith.constant 0 : index
    %swap3A_65 = vector.load %arg8[%swap3A_63, %swap3A_64] : memref<10000x64xf32, #tpu.memory_space<vmem>>, vector<10000x64xf32>
    tpu.vector_store %arg8[%swap3A_63, %swap3A_64], %max3A_62 {strides = array<i32>} : memref<10000x64xf32, #tpu.memory_space<vmem>>, vector<10000x64xf32>,
    return
  }
}

module attributes {stable_mosaic.version = 14 : i64} {
  func.func @_tc3_body(%arg0: memref<2x10112x64xf32, #tpu.memory_space<vmem>>, %arg1: memref<10000x64xf32, #tpu.memory_space<vmem>>, %arg2: memref<64x64xf32, #tpu.memory_space<vmem>>, %arg3: memref<1x64xf32, #tpu.memory_space<vmem>>, %arg4: memref<1x64xf32, #tpu.memory_space<vmem>>, %arg5: memref<1x64xf32, #tpu.memory_space<vmem>>, %arg6: memref<64x1xf32, #tpu.memory_space<vmem>>, %arg7: memref<1x1xf32, #tpu.memory_space<vmem>>, %arg8: memref<10112x1xi32, #tpu.memory_space<vmem>>, %arg9: memref<1x10000xi32, #tpu.memory_space<vmem>>, %arg10: memref<256x16xf32, #tpu.memory_space<vmem>>, %arg11: memref<144x128xf32, #tpu.memory_space<vmem>>, %arg12: memref<1x128xf32, #tpu.memory_space<vmem>>, %arg13: memref<1x128xf32, #tpu.memory_space<vmem>>, %arg14: memref<1x128xf32, #tpu.memory_space<vmem>>, %arg15: memref<128x1xf32, #tpu.memory_space<vmem>>, %arg16: memref<1x1xf32, #tpu.memory_space<vmem>>, %arg17: memref<256x1xf32, #tpu.memory_space<vmem>>, %arg18: memref<10112x64xf32, #tpu.memory_space<vmem>>) attributes {dimension_semantics = [], scalar_prefetch = 0 : i64, scratch_operands = 1 : i64, tpu.core_type = #tpu.core_type<tc>} {
    %get3A = arith.constant 0 : index
    %get3A_0 = arith.constant 0 : index
    %get3A_1 = arith.constant 0 : index
    %get3A_2 = vector.load %arg0[%get3A, %get3A_0, %get3A_1] : memref<2x10112x64xf32, #tpu.memory_space<vmem>>, vector<1x10000x64xf32>
    %get3A_3 = vector.shape_cast %get3A_2 : vector<1x10000x64xf32> to vector<10000x64xf32>
    %get3A_4 = arith.constant 1 : index
    %get3A_5 = arith.constant 0 : index
    %get3A_6 = arith.constant 0 : index
    %get3A_7 = vector.load %arg0[%get3A_4, %get3A_5, %get3A_6] : memref<2x10112x64xf32, #tpu.memory_space<vmem>>, vector<1x10000x64xf32>
    %get3A_8 = vector.shape_cast %get3A_7 : vector<1x10000x64xf32> to vector<10000x64xf32>
    %add3A = arith.addf %get3A_3, %get3A_8 : vector<10000x64xf32>
    %get3A_9 = arith.constant 0 : index
    %get3A_10 = arith.constant 0 : index
    %get3A_11 = vector.load %arg2[%get3A_9, %get3A_10] : memref<64x64xf32, #tpu.memory_space<vmem>>, vector<64x64xf32>
    %dot_general3A = arith.constant dense<0.000000e+00> : vector<10000x64xf32>
    %dot_general3A_12 = tpu.matmul %add3A, %get3A_11, %dot_general3A {dimension_numbers = #tpu.dot_dimension_numbers<[1], [0], [0], [1], [0, 0, 1, 1], [], []>, transpose_lhs_hint = false} : vector<10000x64xf32>, vector<64x64xf32>, vector<10000x64xf32> -> vector<10000x64xf32>
    %get3A_13 = arith.constant 0 : index
    %get3A_14 = arith.constant 0 : index
    %get3A_15 = vector.load %arg3[%get3A_13, %get3A_14] : memref<1x64xf32, #tpu.memory_space<vmem>>, vector<1x64xf32>
    %add3A_16 = vector.broadcast %get3A_15 : vector<1x64xf32> to vector<10000x64xf32>
    %add3A_17 = arith.addf %dot_general3A_12, %add3A_16 : vector<10000x64xf32>
    %max3A = arith.constant 0.000000e+00 : f32
    %max3A_18 = vector.broadcast %max3A : f32 to vector<10000x64xf32>
    %max3A_19 = arith.maximumf %add3A_17, %max3A_18 : vector<10000x64xf32>
    %get3A_20 = arith.constant 0 : index
    %get3A_21 = arith.constant 0 : index
    %get3A_22 = vector.load %arg1[%get3A_20, %get3A_21] : memref<10000x64xf32, #tpu.memory_space<vmem>>, vector<10000x64xf32>
    %add3A_23 = arith.addf %max3A_19, %get3A_22 : vector<10000x64xf32>
    %get3A_24 = arith.constant 0 : index
    %get3A_25 = arith.constant 0 : index
    %get3A_26 = vector.load %arg4[%get3A_24, %get3A_25] : memref<1x64xf32, #tpu.memory_space<vmem>>, vector<1x64xf32>
    %get3A_27 = arith.constant 0 : index
    %get3A_28 = arith.constant 0 : index
    %get3A_29 = vector.load %arg5[%get3A_27, %get3A_28] : memref<1x64xf32, #tpu.memory_space<vmem>>, vector<1x64xf32>
    %reduce_sum3A = arith.constant dense<0.000000e+00> : vector<64xf32>
    %reduce_sum3A_30 = vector.multi_reduction <add>, %add3A_23, %reduce_sum3A [0] : vector<10000x64xf32> to vector<64xf32>
    %broadcast_in_dim3A = vector.shape_cast %reduce_sum3A_30 : vector<64xf32> to vector<1x64xf32>
    %div3A = arith.constant 1.000000e+04 : f32
    %div3A_31 = vector.broadcast %div3A : f32 to vector<1x64xf32>
    %div3A_32 = arith.divf %broadcast_in_dim3A, %div3A_31 : vector<1x64xf32>
    %sub3A = vector.broadcast %div3A_32 : vector<1x64xf32> to vector<10000x64xf32>
    %sub3A_33 = arith.subf %add3A_23, %sub3A : vector<10000x64xf32>
    %sub3A_34 = vector.broadcast %div3A_32 : vector<1x64xf32> to vector<10000x64xf32>
    %sub3A_35 = arith.subf %add3A_23, %sub3A_34 : vector<10000x64xf32>
    %mul3A = arith.mulf %sub3A_33, %sub3A_35 : vector<10000x64xf32>
    %reduce_sum3A_36 = arith.constant dense<0.000000e+00> : vector<64xf32>
    %reduce_sum3A_37 = vector.multi_reduction <add>, %mul3A, %reduce_sum3A_36 [0] : vector<10000x64xf32> to vector<64xf32>
    %broadcast_in_dim3A_38 = vector.shape_cast %reduce_sum3A_37 : vector<64xf32> to vector<1x64xf32>
    %div3A_39 = arith.constant 1.000000e+04 : f32
    %div3A_40 = vector.broadcast %div3A_39 : f32 to vector<1x64xf32>
    %div3A_41 = arith.divf %broadcast_in_dim3A_38, %div3A_40 : vector<1x64xf32>
    %sub3A_42 = vector.broadcast %div3A_32 : vector<1x64xf32> to vector<10000x64xf32>
    %sub3A_43 = arith.subf %add3A_23, %sub3A_42 : vector<10000x64xf32>
    %add3A_44 = arith.constant 9.99999974E-6 : f32
    %add3A_45 = vector.broadcast %add3A_44 : f32 to vector<1x64xf32>
    %add3A_46 = arith.addf %div3A_41, %add3A_45 : vector<1x64xf32>
    %sqrt3A = math.sqrt %add3A_46 : vector<1x64xf32>
    %div3A_47 = vector.broadcast %sqrt3A : vector<1x64xf32> to vector<10000x64xf32>
    %div3A_48 = arith.divf %sub3A_43, %div3A_47 : vector<10000x64xf32>
    %mul3A_49 = vector.broadcast %get3A_26 : vector<1x64xf32> to vector<10000x64xf32>
    %mul3A_50 = arith.mulf %div3A_48, %mul3A_49 : vector<10000x64xf32>
    %add3A_51 = vector.broadcast %get3A_29 : vector<1x64xf32> to vector<10000x64xf32>
    %add3A_52 = arith.addf %mul3A_50, %add3A_51 : vector<10000x64xf32>
    %get3A_53 = arith.constant 0 : index
    %get3A_54 = arith.constant 0 : index
    %get3A_55 = vector.load %arg6[%get3A_53, %get3A_54] : memref<64x1xf32, #tpu.memory_space<vmem>>, vector<64x1xf32>
    %dot_general3A_56 = arith.constant dense<0.000000e+00> : vector<10000x1xf32>
    %dot_general3A_57 = tpu.matmul %add3A_52, %get3A_55, %dot_general3A_56 {dimension_numbers = #tpu.dot_dimension_numbers<[1], [0], [0], [1], [0, 0, 1, 1], [], []>, transpose_lhs_hint = false} : vector<10000x64xf32>, vector<64x1xf32>, vector<10000x1xf32> -> vector<10000x1xf32>
    %get3A_58 = arith.constant 0 : index
    %get3A_59 = arith.constant 0 : index
    %get3A_60 = vector.load %arg7[%get3A_58, %get3A_59] : memref<1x1xf32, #tpu.memory_space<vmem>>, vector<1x1xf32>
    %add3A_61 = vector.broadcast %get3A_60 : vector<1x1xf32> to vector<10000x1xf32>
    %add3A_62 = arith.addf %dot_general3A_57, %add3A_61 : vector<10000x1xf32>
    %neg3A = arith.constant 0.000000e+00 : f32
    %neg3A_63 = vector.broadcast %neg3A : f32 to vector<10000x1xf32>
    %neg3A_64 = arith.subf %neg3A_63, %add3A_62 : vector<10000x1xf32>
    %exp3A = math.exp %neg3A_64 : vector<10000x1xf32>
    %add3A_65 = arith.constant 1.000000e+00 : f32
    %add3A_66 = vector.broadcast %add3A_65 : f32 to vector<10000x1xf32>
    %add3A_67 = arith.addf %add3A_66, %exp3A : vector<10000x1xf32>
    %div3A_68 = arith.constant 1.000000e+00 : f32
    %div3A_69 = vector.broadcast %div3A_68 : f32 to vector<10000x1xf32>
    %div3A_70 = arith.divf %div3A_69, %add3A_67 : vector<10000x1xf32>
    %iota3A = tpu.iota {dimensions = array<i32: 0>} : vector<256x1xi32>
    %get3A_71 = arith.constant 0 : index
    %get3A_72 = arith.constant 0 : index
    %get3A_73 = vector.load %arg9[%get3A_71, %get3A_72] : memref<1x10000xi32, #tpu.memory_space<vmem>>, vector<1x10000xi32>
    %eq3A = vector.broadcast %iota3A : vector<256x1xi32> to vector<256x10000xi32>
    %eq3A_74 = vector.broadcast %get3A_73 : vector<1x10000xi32> to vector<256x10000xi32>
    %eq3A_75 = arith.cmpi eq, %eq3A, %eq3A_74 : vector<256x10000xi32>
    %convert_element_type3A = arith.extui %eq3A_75 : vector<256x10000xi1> to vector<256x10000xi32>
    %convert_element_type3A_76 = arith.sitofp %convert_element_type3A : vector<256x10000xi32> to vector<256x10000xf32>
    %mul3A_77 = vector.broadcast %div3A_70 : vector<10000x1xf32> to vector<10000x64xf32>
    %mul3A_78 = arith.mulf %add3A_52, %mul3A_77 : vector<10000x64xf32>
    %dot_general3A_79 = arith.constant dense<0.000000e+00> : vector<256x64xf32>
    %dot_general3A_80 = tpu.matmul %convert_element_type3A_76, %mul3A_78, %dot_general3A_79 {dimension_numbers = #tpu.dot_dimension_numbers<[1], [0], [0], [1], [0, 0, 1, 1], [], []>, transpose_lhs_hint = false} : vector<256x10000xf32>, vector<10000x64xf32>, vector<256x64xf32> -> vector<256x64xf32>
    %swap3A = arith.constant 0 : index
    %swap3A_81 = arith.constant 0 : index
    %swap3A_82 = vector.load %arg18[%swap3A, %swap3A_81] : memref<10112x64xf32, #tpu.memory_space<vmem>>, vector<10000x64xf32>
    tpu.vector_store %arg18[%swap3A, %swap3A_81], %add3A_52 {strides = array<i32>} : memref<10112x64xf32, #tpu.memory_space<vmem>>, vector<10000x64xf32>,
    %broadcast_in_dim3A_83 = arith.constant 0.000000e+00 : f32
    %broadcast_in_dim3A_84 = vector.broadcast %broadcast_in_dim3A_83 : f32 to vector<112x64xf32>
    %swap3A_85 = arith.constant 10000 : index
    %swap3A_86 = arith.constant 0 : index
    %swap3A_87 = vector.load %arg18[%swap3A_85, %swap3A_86] : memref<10112x64xf32, #tpu.memory_space<vmem>>, vector<112x64xf32>
    tpu.vector_store %arg18[%swap3A_85, %swap3A_86], %broadcast_in_dim3A_84 {strides = array<i32>} : memref<10112x64xf32, #tpu.memory_space<vmem>>, vector<112x64xf32>,
    %iota3A_88 = tpu.iota {dimensions = array<i32: 1>} : vector<1x256xi32>
    %iota3A_89 = tpu.iota {dimensions = array<i32: 0>} : vector<128x1xi32>
    %broadcast_in_dim3A_90 = arith.constant 0xFF800000 : f32
    %broadcast_in_dim3A_91 = vector.broadcast %broadcast_in_dim3A_90 : f32 to vector<256x64xf32>
    %scan3A = arith.constant 0xFF800000 : f32
    %scan3A_92 = arith.constant 0 : i32
    %scan3A_93 = arith.constant 79 : i32
    %scan3A_94 = arith.addi %scan3A_92, %scan3A_93 : i32
    %scan3A_95 = arith.constant 1 : i32
    %scan3A_96 = scf.for %scan3A_162 = %scan3A_92 to %scan3A_94 step %scan3A_95 iter_args(%scan3A_163 = %broadcast_in_dim3A_91) -> (vector<256x64xf32>)  : i32 {
      %mul3A_164 = arith.constant 128 : i32
      %mul3A_165 = arith.muli %scan3A_162, %mul3A_164 : i32
      %get3A_166 = arith.index_cast %mul3A_165 : i32 to index
      %get3A_167 = arith.constant 0 : index
      %get3A_168 = vector.load %arg18[%get3A_166, %get3A_167] : memref<10112x64xf32, #tpu.memory_space<vmem>>, vector<128x64xf32>
      %get3A_169 = arith.index_cast %mul3A_165 : i32 to index
      %get3A_170 = arith.constant 0 : index
      %get3A_171 = vector.load %arg8[%get3A_169, %get3A_170] : memref<10112x1xi32, #tpu.memory_space<vmem>>, vector<128x1xi32>
      %broadcast_in_dim3A_172 = vector.broadcast %scan3A : f32 to vector<1x64xf32>
      %slice3A = vector.extract_strided_slice %get3A_168 {offsets = [0, 0], sizes = [127, 64], strides = [1, 1]} : vector<128x64xf32> to vector<127x64xf32>
      %concatenate3A_173 = tpu.concatenate %broadcast_in_dim3A_172, %slice3A in 0 : vector<1x64xf32>, vector<127x64xf32> -> vector<128x64xf32>
      %broadcast_in_dim3A_174 = arith.constant -1 : i32
      %broadcast_in_dim3A_175 = vector.broadcast %broadcast_in_dim3A_174 : i32 to vector<1x1xi32>
      %slice3A_176 = vector.extract_strided_slice %get3A_171 {offsets = [0, 0], sizes = [127, 1], strides = [1, 1]} : vector<128x1xi32> to vector<127x1xi32>
      %concatenate3A_177 = tpu.concatenate %broadcast_in_dim3A_175, %slice3A_176 in 0 : vector<1x1xi32>, vector<127x1xi32> -> vector<128x1xi32>
      %eq3A_178 = arith.cmpi eq, %get3A_171, %concatenate3A_177 : vector<128x1xi32>
      %max3A_179 = arith.maximumf %get3A_168, %concatenate3A_173 : vector<128x64xf32>
      %broadcast_in_dim3A_180 = vector.shape_cast %eq3A_178 : vector<128x1xi1> to vector<128x1xi1>
      %broadcast_in_dim3A_181 = vector.broadcast %broadcast_in_dim3A_180 : vector<128x1xi1> to vector<128x64xi1>
      %select_n3A = arith.select %broadcast_in_dim3A_181, %max3A_179, %get3A_168 : vector<128x64xi1>, vector<128x64xf32>
      %broadcast_in_dim3A_182 = vector.broadcast %scan3A : f32 to vector<2x64xf32>
      %slice3A_183 = vector.extract_strided_slice %select_n3A {offsets = [0, 0], sizes = [126, 64], strides = [1, 1]} : vector<128x64xf32> to vector<126x64xf32>
      %concatenate3A_184 = tpu.concatenate %broadcast_in_dim3A_182, %slice3A_183 in 0 : vector<2x64xf32>, vector<126x64xf32> -> vector<128x64xf32>
      %broadcast_in_dim3A_185 = arith.constant -1 : i32
      %broadcast_in_dim3A_186 = vector.broadcast %broadcast_in_dim3A_185 : i32 to vector<2x1xi32>
      %slice3A_187 = vector.extract_strided_slice %get3A_171 {offsets = [0, 0], sizes = [126, 1], strides = [1, 1]} : vector<128x1xi32> to vector<126x1xi32>
      %concatenate3A_188 = tpu.concatenate %broadcast_in_dim3A_186, %slice3A_187 in 0 : vector<2x1xi32>, vector<126x1xi32> -> vector<128x1xi32>
      %eq3A_189 = arith.cmpi eq, %get3A_171, %concatenate3A_188 : vector<128x1xi32>
      %max3A_190 = arith.maximumf %select_n3A, %concatenate3A_184 : vector<128x64xf32>
      %broadcast_in_dim3A_191 = vector.shape_cast %eq3A_189 : vector<128x1xi1> to vector<128x1xi1>
      %broadcast_in_dim3A_192 = vector.broadcast %broadcast_in_dim3A_191 : vector<128x1xi1> to vector<128x64xi1>
      %select_n3A_193 = arith.select %broadcast_in_dim3A_192, %max3A_190, %select_n3A : vector<128x64xi1>, vector<128x64xf32>
      %broadcast_in_dim3A_194 = vector.broadcast %scan3A : f32 to vector<4x64xf32>
      %slice3A_195 = vector.extract_strided_slice %select_n3A_193 {offsets = [0, 0], sizes = [124, 64], strides = [1, 1]} : vector<128x64xf32> to vector<124x64xf32>
      %concatenate3A_196 = tpu.concatenate %broadcast_in_dim3A_194, %slice3A_195 in 0 : vector<4x64xf32>, vector<124x64xf32> -> vector<128x64xf32>
      %broadcast_in_dim3A_197 = arith.constant -1 : i32
      %broadcast_in_dim3A_198 = vector.broadcast %broadcast_in_dim3A_197 : i32 to vector<4x1xi32>
      %slice3A_199 = vector.extract_strided_slice %get3A_171 {offsets = [0, 0], sizes = [124, 1], strides = [1, 1]} : vector<128x1xi32> to vector<124x1xi32>
      %concatenate3A_200 = tpu.concatenate %broadcast_in_dim3A_198, %slice3A_199 in 0 : vector<4x1xi32>, vector<124x1xi32> -> vector<128x1xi32>
      %eq3A_201 = arith.cmpi eq, %get3A_171, %concatenate3A_200 : vector<128x1xi32>
      %max3A_202 = arith.maximumf %select_n3A_193, %concatenate3A_196 : vector<128x64xf32>
      %broadcast_in_dim3A_203 = vector.shape_cast %eq3A_201 : vector<128x1xi1> to vector<128x1xi1>
      %broadcast_in_dim3A_204 = vector.broadcast %broadcast_in_dim3A_203 : vector<128x1xi1> to vector<128x64xi1>
      %select_n3A_205 = arith.select %broadcast_in_dim3A_204, %max3A_202, %select_n3A_193 : vector<128x64xi1>, vector<128x64xf32>
      %broadcast_in_dim3A_206 = vector.broadcast %scan3A : f32 to vector<8x64xf32>
      %slice3A_207 = vector.extract_strided_slice %select_n3A_205 {offsets = [0, 0], sizes = [120, 64], strides = [1, 1]} : vector<128x64xf32> to vector<120x64xf32>
      %concatenate3A_208 = tpu.concatenate %broadcast_in_dim3A_206, %slice3A_207 in 0 : vector<8x64xf32>, vector<120x64xf32> -> vector<128x64xf32>
      %broadcast_in_dim3A_209 = arith.constant -1 : i32
      %broadcast_in_dim3A_210 = vector.broadcast %broadcast_in_dim3A_209 : i32 to vector<8x1xi32>
      %slice3A_211 = vector.extract_strided_slice %get3A_171 {offsets = [0, 0], sizes = [120, 1], strides = [1, 1]} : vector<128x1xi32> to vector<120x1xi32>
      %concatenate3A_212 = tpu.concatenate %broadcast_in_dim3A_210, %slice3A_211 in 0 : vector<8x1xi32>, vector<120x1xi32> -> vector<128x1xi32>
      %eq3A_213 = arith.cmpi eq, %get3A_171, %concatenate3A_212 : vector<128x1xi32>
      %max3A_214 = arith.maximumf %select_n3A_205, %concatenate3A_208 : vector<128x64xf32>
      %broadcast_in_dim3A_215 = vector.shape_cast %eq3A_213 : vector<128x1xi1> to vector<128x1xi1>
      %broadcast_in_dim3A_216 = vector.broadcast %broadcast_in_dim3A_215 : vector<128x1xi1> to vector<128x64xi1>
      %select_n3A_217 = arith.select %broadcast_in_dim3A_216, %max3A_214, %select_n3A_205 : vector<128x64xi1>, vector<128x64xf32>
      %broadcast_in_dim3A_218 = vector.broadcast %scan3A : f32 to vector<16x64xf32>
      %slice3A_219 = vector.extract_strided_slice %select_n3A_217 {offsets = [0, 0], sizes = [112, 64], strides = [1, 1]} : vector<128x64xf32> to vector<112x64xf32>
      %concatenate3A_220 = tpu.concatenate %broadcast_in_dim3A_218, %slice3A_219 in 0 : vector<16x64xf32>, vector<112x64xf32> -> vector<128x64xf32>
      %broadcast_in_dim3A_221 = arith.constant -1 : i32
      %broadcast_in_dim3A_222 = vector.broadcast %broadcast_in_dim3A_221 : i32 to vector<16x1xi32>
      %slice3A_223 = vector.extract_strided_slice %get3A_171 {offsets = [0, 0], sizes = [112, 1], strides = [1, 1]} : vector<128x1xi32> to vector<112x1xi32>
      %concatenate3A_224 = tpu.concatenate %broadcast_in_dim3A_222, %slice3A_223 in 0 : vector<16x1xi32>, vector<112x1xi32> -> vector<128x1xi32>
      %eq3A_225 = arith.cmpi eq, %get3A_171, %concatenate3A_224 : vector<128x1xi32>
      %max3A_226 = arith.maximumf %select_n3A_217, %concatenate3A_220 : vector<128x64xf32>
      %broadcast_in_dim3A_227 = vector.shape_cast %eq3A_225 : vector<128x1xi1> to vector<128x1xi1>
      %broadcast_in_dim3A_228 = vector.broadcast %broadcast_in_dim3A_227 : vector<128x1xi1> to vector<128x64xi1>
      %select_n3A_229 = arith.select %broadcast_in_dim3A_228, %max3A_226, %select_n3A_217 : vector<128x64xi1>, vector<128x64xf32>
      %broadcast_in_dim3A_230 = vector.broadcast %scan3A : f32 to vector<32x64xf32>
      %slice3A_231 = vector.extract_strided_slice %select_n3A_229 {offsets = [0, 0], sizes = [96, 64], strides = [1, 1]} : vector<128x64xf32> to vector<96x64xf32>
      %concatenate3A_232 = tpu.concatenate %broadcast_in_dim3A_230, %slice3A_231 in 0 : vector<32x64xf32>, vector<96x64xf32> -> vector<128x64xf32>
      %broadcast_in_dim3A_233 = arith.constant -1 : i32
      %broadcast_in_dim3A_234 = vector.broadcast %broadcast_in_dim3A_233 : i32 to vector<32x1xi32>
      %slice3A_235 = vector.extract_strided_slice %get3A_171 {offsets = [0, 0], sizes = [96, 1], strides = [1, 1]} : vector<128x1xi32> to vector<96x1xi32>
      %concatenate3A_236 = tpu.concatenate %broadcast_in_dim3A_234, %slice3A_235 in 0 : vector<32x1xi32>, vector<96x1xi32> -> vector<128x1xi32>
      %eq3A_237 = arith.cmpi eq, %get3A_171, %concatenate3A_236 : vector<128x1xi32>
      %max3A_238 = arith.maximumf %select_n3A_229, %concatenate3A_232 : vector<128x64xf32>
      %broadcast_in_dim3A_239 = vector.shape_cast %eq3A_237 : vector<128x1xi1> to vector<128x1xi1>
      %broadcast_in_dim3A_240 = vector.broadcast %broadcast_in_dim3A_239 : vector<128x1xi1> to vector<128x64xi1>
      %select_n3A_241 = arith.select %broadcast_in_dim3A_240, %max3A_238, %select_n3A_229 : vector<128x64xi1>, vector<128x64xf32>
      %broadcast_in_dim3A_242 = vector.broadcast %scan3A : f32 to vector<64x64xf32>
      %slice3A_243 = vector.extract_strided_slice %select_n3A_241 {offsets = [0, 0], sizes = [64, 64], strides = [1, 1]} : vector<128x64xf32> to vector<64x64xf32>
      %concatenate3A_244 = tpu.concatenate %broadcast_in_dim3A_242, %slice3A_243 in 0 : vector<64x64xf32>, vector<64x64xf32> -> vector<128x64xf32>
      %broadcast_in_dim3A_245 = arith.constant -1 : i32
      %broadcast_in_dim3A_246 = vector.broadcast %broadcast_in_dim3A_245 : i32 to vector<64x1xi32>
      %slice3A_247 = vector.extract_strided_slice %get3A_171 {offsets = [0, 0], sizes = [64, 1], strides = [1, 1]} : vector<128x1xi32> to vector<64x1xi32>
      %concatenate3A_248 = tpu.concatenate %broadcast_in_dim3A_246, %slice3A_247 in 0 : vector<64x1xi32>, vector<64x1xi32> -> vector<128x1xi32>
      %eq3A_249 = arith.cmpi eq, %get3A_171, %concatenate3A_248 : vector<128x1xi32>
      %max3A_250 = arith.maximumf %select_n3A_241, %concatenate3A_244 : vector<128x64xf32>
      %broadcast_in_dim3A_251 = vector.shape_cast %eq3A_249 : vector<128x1xi1> to vector<128x1xi1>
      %broadcast_in_dim3A_252 = vector.broadcast %broadcast_in_dim3A_251 : vector<128x1xi1> to vector<128x64xi1>
      %select_n3A_253 = arith.select %broadcast_in_dim3A_252, %max3A_250, %select_n3A_241 : vector<128x64xi1>, vector<128x64xf32>
      %slice3A_254 = vector.extract_strided_slice %get3A_171 {offsets = [1, 0], sizes = [127, 1], strides = [1, 1]} : vector<128x1xi32> to vector<127x1xi32>
      %broadcast_in_dim3A_255 = arith.constant -1 : i32
      %broadcast_in_dim3A_256 = vector.broadcast %broadcast_in_dim3A_255 : i32 to vector<1x1xi32>
      %concatenate3A_257 = tpu.concatenate %slice3A_254, %broadcast_in_dim3A_256 in 0 : vector<127x1xi32>, vector<1x1xi32> -> vector<128x1xi32>
      %ne3A = arith.cmpi ne, %get3A_171, %concatenate3A_257 : vector<128x1xi32>
      %eq3A_258 = arith.constant 127 : i32
      %eq3A_259 = vector.broadcast %eq3A_258 : i32 to vector<128x1xi32>
      %eq3A_260 = arith.cmpi eq, %iota3A_89, %eq3A_259 : vector<128x1xi32>
      %or3A = arith.ori %ne3A, %eq3A_260 : vector<128x1xi1>
      %eq3A_261 = vector.broadcast %get3A_171 : vector<128x1xi32> to vector<128x256xi32>
      %eq3A_262 = vector.broadcast %iota3A_88 : vector<1x256xi32> to vector<128x256xi32>
      %eq3A_263 = arith.cmpi eq, %eq3A_261, %eq3A_262 : vector<128x256xi32>
      %and3A = vector.broadcast %or3A : vector<128x1xi1> to vector<128x256xi1>
      %and3A_264 = arith.andi %eq3A_263, %and3A : vector<128x256xi1>
      %convert_element_type3A_265 = arith.extui %and3A_264 : vector<128x256xi1> to vector<128x256xi32>
      %convert_element_type3A_266 = arith.sitofp %convert_element_type3A_265 : vector<128x256xi32> to vector<128x256xf32>
      %dot_general3A_267 = arith.constant dense<0.000000e+00> : vector<256x64xf32>
      %dot_general3A_268 = tpu.matmul %convert_element_type3A_266, %select_n3A_253, %dot_general3A_267 {dimension_numbers = #tpu.dot_dimension_numbers<[0], [0], [1], [1], [0, 1, 1, 1], [], []>, transpose_lhs_hint = false} : vector<128x256xf32>, vector<128x64xf32>, vector<256x64xf32> -> vector<256x64xf32>
      %broadcast_in_dim3A_269 = arith.constant 1.000000e+00 : f32
      %broadcast_in_dim3A_270 = vector.broadcast %broadcast_in_dim3A_269 : f32 to vector<128x1xf32>
      %dot_general3A_271 = arith.constant dense<0.000000e+00> : vector<256x1xf32>
      %dot_general3A_272 = tpu.matmul %convert_element_type3A_266, %broadcast_in_dim3A_270, %dot_general3A_271 {dimension_numbers = #tpu.dot_dimension_numbers<[0], [0], [1], [1], [0, 1, 1, 1], [], []>, transpose_lhs_hint = false} : vector<128x256xf32>, vector<128x1xf32>, vector<256x1xf32> -> vector<256x1xf32>
      %gt3A = arith.constant 0.000000e+00 : f32
      %gt3A_273 = vector.broadcast %gt3A : f32 to vector<256x1xf32>
      %gt3A_274 = arith.cmpf ogt, %dot_general3A_272, %gt3A_273 : vector<256x1xf32>
      %broadcast_in_dim3A_275 = vector.shape_cast %gt3A_274 : vector<256x1xi1> to vector<256x1xi1>
      %broadcast_in_dim3A_276 = vector.broadcast %broadcast_in_dim3A_275 : vector<256x1xi1> to vector<256x64xi1>
      %broadcast_in_dim3A_277 = vector.broadcast %scan3A : f32 to vector<256x64xf32>
      %select_n3A_278 = arith.select %broadcast_in_dim3A_276, %dot_general3A_268, %broadcast_in_dim3A_277 : vector<256x64xi1>, vector<256x64xf32>
      %max3A_279 = arith.maximumf %scan3A_163, %select_n3A_278 : vector<256x64xf32>
      scf.yield %max3A_279 : vector<256x64xf32>
    }
    %scan3A_97 = arith.constant 79 : i32
    %get3A_98 = arith.constant 0 : index
    %get3A_99 = arith.constant 0 : index
    %get3A_100 = vector.load %arg10[%get3A_98, %get3A_99] : memref<256x16xf32, #tpu.memory_space<vmem>>, vector<256x16xf32>
    %concatenate3A = tpu.concatenate %dot_general3A_80, %scan3A_96, %get3A_100 in 1 : vector<256x64xf32>, vector<256x64xf32>, vector<256x16xf32> -> vector<256x144xf32>
    %get3A_101 = arith.constant 0 : index
    %get3A_102 = arith.constant 0 : index
    %get3A_103 = vector.load %arg11[%get3A_101, %get3A_102] : memref<144x128xf32, #tpu.memory_space<vmem>>, vector<144x128xf32>
    %dot_general3A_104 = arith.constant dense<0.000000e+00> : vector<256x128xf32>
    %dot_general3A_105 = tpu.matmul %concatenate3A, %get3A_103, %dot_general3A_104 {dimension_numbers = #tpu.dot_dimension_numbers<[1], [0], [0], [1], [0, 0, 1, 1], [], []>, transpose_lhs_hint = false} : vector<256x144xf32>, vector<144x128xf32>, vector<256x128xf32> -> vector<256x128xf32>
    %get3A_106 = arith.constant 0 : index
    %get3A_107 = arith.constant 0 : index
    %get3A_108 = vector.load %arg12[%get3A_106, %get3A_107] : memref<1x128xf32, #tpu.memory_space<vmem>>, vector<1x128xf32>
    %add3A_109 = vector.broadcast %get3A_108 : vector<1x128xf32> to vector<256x128xf32>
    %add3A_110 = arith.addf %dot_general3A_105, %add3A_109 : vector<256x128xf32>
    %max3A_111 = arith.constant 0.000000e+00 : f32
    %max3A_112 = vector.broadcast %max3A_111 : f32 to vector<256x128xf32>
    %max3A_113 = arith.maximumf %add3A_110, %max3A_112 : vector<256x128xf32>
    %get3A_114 = arith.constant 0 : index
    %get3A_115 = arith.constant 0 : index
    %get3A_116 = vector.load %arg13[%get3A_114, %get3A_115] : memref<1x128xf32, #tpu.memory_space<vmem>>, vector<1x128xf32>
    %get3A_117 = arith.constant 0 : index
    %get3A_118 = arith.constant 0 : index
    %get3A_119 = vector.load %arg14[%get3A_117, %get3A_118] : memref<1x128xf32, #tpu.memory_space<vmem>>, vector<1x128xf32>
    %reduce_sum3A_120 = arith.constant dense<0.000000e+00> : vector<128xf32>
    %reduce_sum3A_121 = vector.multi_reduction <add>, %max3A_113, %reduce_sum3A_120 [0] : vector<256x128xf32> to vector<128xf32>
    %broadcast_in_dim3A_122 = vector.shape_cast %reduce_sum3A_121 : vector<128xf32> to vector<1x128xf32>
    %div3A_123 = arith.constant 2.560000e+02 : f32
    %div3A_124 = vector.broadcast %div3A_123 : f32 to vector<1x128xf32>
    %div3A_125 = arith.divf %broadcast_in_dim3A_122, %div3A_124 : vector<1x128xf32>
    %sub3A_126 = vector.broadcast %div3A_125 : vector<1x128xf32> to vector<256x128xf32>
    %sub3A_127 = arith.subf %max3A_113, %sub3A_126 : vector<256x128xf32>
    %sub3A_128 = vector.broadcast %div3A_125 : vector<1x128xf32> to vector<256x128xf32>
    %sub3A_129 = arith.subf %max3A_113, %sub3A_128 : vector<256x128xf32>
    %mul3A_130 = arith.mulf %sub3A_127, %sub3A_129 : vector<256x128xf32>
    %reduce_sum3A_131 = arith.constant dense<0.000000e+00> : vector<128xf32>
    %reduce_sum3A_132 = vector.multi_reduction <add>, %mul3A_130, %reduce_sum3A_131 [0] : vector<256x128xf32> to vector<128xf32>
    %broadcast_in_dim3A_133 = vector.shape_cast %reduce_sum3A_132 : vector<128xf32> to vector<1x128xf32>
    %div3A_134 = arith.constant 2.560000e+02 : f32
    %div3A_135 = vector.broadcast %div3A_134 : f32 to vector<1x128xf32>
    %div3A_136 = arith.divf %broadcast_in_dim3A_133, %div3A_135 : vector<1x128xf32>
    %sub3A_137 = vector.broadcast %div3A_125 : vector<1x128xf32> to vector<256x128xf32>
    %sub3A_138 = arith.subf %max3A_113, %sub3A_137 : vector<256x128xf32>
    %add3A_139 = arith.constant 9.99999974E-6 : f32
    %add3A_140 = vector.broadcast %add3A_139 : f32 to vector<1x128xf32>
    %add3A_141 = arith.addf %div3A_136, %add3A_140 : vector<1x128xf32>
    %sqrt3A_142 = math.sqrt %add3A_141 : vector<1x128xf32>
    %div3A_143 = vector.broadcast %sqrt3A_142 : vector<1x128xf32> to vector<256x128xf32>
    %div3A_144 = arith.divf %sub3A_138, %div3A_143 : vector<256x128xf32>
    %mul3A_145 = vector.broadcast %get3A_116 : vector<1x128xf32> to vector<256x128xf32>
    %mul3A_146 = arith.mulf %div3A_144, %mul3A_145 : vector<256x128xf32>
    %add3A_147 = vector.broadcast %get3A_119 : vector<1x128xf32> to vector<256x128xf32>
    %add3A_148 = arith.addf %mul3A_146, %add3A_147 : vector<256x128xf32>
    %get3A_149 = arith.constant 0 : index
    %get3A_150 = arith.constant 0 : index
    %get3A_151 = vector.load %arg15[%get3A_149, %get3A_150] : memref<128x1xf32, #tpu.memory_space<vmem>>, vector<128x1xf32>
    %dot_general3A_152 = arith.constant dense<0.000000e+00> : vector<256x1xf32>
    %dot_general3A_153 = tpu.matmul %add3A_148, %get3A_151, %dot_general3A_152 {dimension_numbers = #tpu.dot_dimension_numbers<[1], [0], [0], [1], [0, 0, 1, 1], [], []>, transpose_lhs_hint = false} : vector<256x128xf32>, vector<128x1xf32>, vector<256x1xf32> -> vector<256x1xf32>
    %get3A_154 = arith.constant 0 : index
    %get3A_155 = arith.constant 0 : index
    %get3A_156 = vector.load %arg16[%get3A_154, %get3A_155] : memref<1x1xf32, #tpu.memory_space<vmem>>, vector<1x1xf32>
    %add3A_157 = vector.broadcast %get3A_156 : vector<1x1xf32> to vector<256x1xf32>
    %add3A_158 = arith.addf %dot_general3A_153, %add3A_157 : vector<256x1xf32>
    %swap3A_159 = arith.constant 0 : index
    %swap3A_160 = arith.constant 0 : index
    %swap3A_161 = vector.load %arg17[%swap3A_159, %swap3A_160] : memref<256x1xf32, #tpu.memory_space<vmem>>, vector<256x1xf32>
    tpu.vector_store %arg17[%swap3A_159, %swap3A_160], %add3A_158 {strides = array<i32>} : memref<256x1xf32, #tpu.memory_space<vmem>>, vector<256x1xf32>,
    return
  }
}

</mosaic_0001>

<sc_bundles>
// kernel: kernel.10.cloned.1.call-start
scs
__scs_entry_jumppad:
0x0: {  	(pc) =	sbr.rel $0x88, $3  }
0x1: {  	(tag) =	ssettag $0x0;
	lr =	simm.s32 $0x1  }
0x2: {  	[smem:$0x3F89] =	sst lr;
	_ =	strace $0xD0000000  }
0x3: {  	_ = 	snop  }
0x4: {  	_ = 	snop  }
0x5: {  	_ = 	snop  }
0x6: {  	_ = 	snop  }
0x7: {  	_ = 	snop  }
__scs_overlays_trampoline_lowered:
0x8: {  	[smem:$0x3F98] =	sst s0  }
0x9: {  	[smem:$0x3F99] =	sst s1  }
0xa: {  	[smem:$0x3F9A] =	sst s2  }
0xb: {  	[smem:$0x3F9B] =	sst s3  }
0xc: {  	[smem:$0x3F9C] =	sst s4  }
0xd: {  	[smem:$0x3F9D] =	sst s5  }
0xe: {  	[smem:$0x3F9E] =	sst s6  }
0xf: {  	[smem:$0x3F9F] =	sst s7  }
0x10: {  	[smem:$0x3FA0] =	sst s8  }
0x11: {  	[smem:$0x3FA1] =	sst s9;
	s0 =	simm.s32 @!p0 $0x0  }
0x12: {  	s1 =	sld [smem:$0x3F87];
	s0 =	simm.s32 @p0 $0x1  }
0x13: {  	[smem:$0x3FA2] =	sst s0;
	s0 =	simm.s32 @!p1 $0x0  }
0x14: {  	s2 =	sld [smem:$0x3F86];
	s0 =	simm.s32 @p1 $0x1  }
0x15: {  	[smem:$0x3FA3] =	sst s0;
	s0 =	simm.s32 @!p2 $0x0  }
0x16: {  	s3 =	sld [smem:$0x3FDB];
	s0 =	simm.s32 @p2 $0x1  }
0x17: {  	s4 =	simm.s32 $0x1BF5;
	[smem:$0x3FA5] =	sst s0  }
0x18: {  	s0 =	sld [smem:$0x3F88];
	_ =	swait.ge [sflag:s4], $0x0  }
0x19: {  	s7 =	sld [smem:$0x3F89]  }
0x1a: {  	s8 =	sadd.s32 $0xFFFFE003, lr  }
0x1b: {  	s9 =	sadd.s32 $0xFFFFFEF7, lr;
	s5 =	simm.s32 $0xFFFFFFFF;
	p2 =	slt.u32 s8, $0xFFFFF086  }
0x1c: {  	p1 =	slt.u32 s9, $0xF7A;
	s5 =	simm.s32 @!p2 $0x0  }
0x1d: {  	s5 =	simm.s32 @p1 $0x1;
	p0 =	seq.s32 s7, s2  }
0x1e: {  	s7 =	smul.u32 @!p0 $0xF7A, s2;
	p2 =	seq.s32 @!p0 s5, $0x0  }
0x1f: {  	s9 =	smul.u32 $0xF7A, s1;
	s8 =	simm.s32 @!p0 $0x1BF5;
	p2 =	por !p2, p0  }
0x20: {  	[sflag:s8] =	ssyncset.s32 @!p0 $0xFFFFF086;
	s6 =	sadd.s32 @!p0 s3, s7;
	s7 =	simm.s32 @!p0 $0x108  }
0x21: {  	s3 =	sadd.s32 s3, s9;
	s6 =	sadd.s32 @!p0 $0x88, s6;
	s7 =	simm.s32 @p2 $0x1082  }
0x22: {  	[simem:s7], [sflag:s8] =	dma.local @!p0 [hbm:s6], $0xF7A  }
0x23: {  	s9 =	sor.u32 $0xD0000000, s2;
	s6 =	simm.s32 $0x108;
	_ =	swait.ge @!p0 [sflag:s8], $0x0  }
0x24: {  	s3 =	sadd.s32 $0x88, s3;
	s6 =	simm.s32 @!p1 $0x1082;
	[sflag:s4] =	ssyncset.s32 $0xFFFFF086  }
0x25: {  	[simem:s6], [sflag:s4] =	dma.local [hbm:s3], $0xF7A  }
0x26: {  	[smem:$0x3F89] =	sst s1;
	(tag) =	ssettag s2;
	_ =	strace s9  }
0x27: {  	s1 =	sld [smem:$0x3F99]  }
0x28: {  	s2 =	sld [smem:$0x3F9A]  }
0x29: {  	s4 =	sld [smem:$0x3F9C]  }
0x2a: {  	p0 =	seq.s32 s5, $0x0;
	s5 =	sld [smem:$0x3F9D]  }
0x2b: {  	s6 =	sld [smem:$0x3F9E]  }
0x2c: {  	s7 =	sld [smem:$0x3F9F]  }
0x2d: {  	s3 =	simm.s32 $0x108;
	s8 =	sld [smem:$0x3FA0]  }
0x2e: {  	s3 =	simm.s32 @!p0 $0x1082;
	s9 =	sld [smem:$0x3FA1]  }
0x2f: {  	lr =	sadd.s32 s0, s3;
	s0 =	sld [smem:$0x3F98]  }
0x30: {  	s3 =	sld [smem:$0x3F9B]  }
0x31: {  	[smem:$0x3FA4] =	sst s10  }
0x32: {  	s10 =	sld [smem:$0x3FA2];
	_ =	sdelay $0x3  }
0x33: {  	p0 =	seq.s32 s10, $0x1;
	s10 =	sld [smem:$0x3FA4];
	_ =	sdelay $0x3  }
0x34: {  	[smem:$0x3FA4] =	sst s10  }
0x35: {  	s10 =	sld [smem:$0x3FA3];
	_ =	sdelay $0x3  }
0x36: {  	p1 =	seq.s32 s10, $0x1;
	s10 =	sld [smem:$0x3FA4];
	_ =	sdelay $0x3  }
0x37: {  	[smem:$0x3FA4] =	sst s10  }
0x38: {  	s10 =	sld [smem:$0x3FA5]  }
0x39: {  	_ = 	snop;
	(pc) =	sbr.ind lr, $3  }
0x3a: {  	_ = 	snop  }
0x3b: {  	_ = 	snop  }
0x3c: {  	p2 =	seq.s32 s10, $0x1;
	s10 =	sld [smem:$0x3FA4]  }
0x3d: {  	_ =	shalt  }
0x3e: {  	_ =	shalt  }
0x3f: {  	_ =	shalt  }
0x40: {  	_ =	shalt  }
0x41: {  	_ =	shalt  }
0x42: {  	_ =	shalt  }
0x43: {  	_ =	shalt  }
0x44: {  	_ =	shalt  }
0x45: {  	_ =	shalt  }
0x46: {  	_ =	shalt  }
0x47: {  	_ =	shalt  }
0x48: {  	_ =	shalt  }
0x49: {  	_ =	shalt  }
0x4a: {  	_ =	shalt  }
0x4b: {  	_ =	shalt  }
0x4c: {  	_ =	shalt  }
0x4d: {  	_ =	shalt  }
0x4e: {  	_ =	shalt  }
0x4f: {  	_ =	shalt  }
0x50: {  	_ =	shalt  }
0x51: {  	_ =	shalt  }
0x52: {  	_ =	shalt  }
0x53: {  	_ =	shalt  }
0x54: {  	_ =	shalt  }
0x55: {  	_ =	shalt  }
0x56: {  	_ =	shalt  }
0x57: {  	_ =	shalt  }
0x58: {  	_ =	shalt  }
0x59: {  	_ =	shalt  }
0x5a: {  	_ =	shalt  }
0x5b: {  	_ =	shalt  }
0x5c: {  	_ =	shalt  }
0x5d: {  	_ =	shalt  }
0x5e: {  	_ =	shalt  }
0x5f: {  	_ =	shalt  }
0x60: {  	_ =	shalt  }
0x61: {  	_ =	shalt  }
0x62: {  	_ =	shalt  }
0x63: {  	_ =	shalt  }
0x64: {  	_ =	shalt  }
0x65: {  	_ =	shalt  }
0x66: {  	_ =	shalt  }
0x67: {  	_ =	shalt  }
0x68: {  	_ =	shalt  }
0x69: {  	_ =	shalt  }
0x6a: {  	_ =	shalt  }
0x6b: {  	_ =	shalt  }
0x6c: {  	_ =	shalt  }
0x6d: {  	_ =	shalt  }
0x6e: {  	_ =	shalt  }
0x6f: {  	_ =	shalt  }
0x70: {  	_ =	shalt  }
0x71: {  	_ =	shalt  }
0x72: {  	_ =	shalt  }
0x73: {  	_ =	shalt  }
0x74: {  	_ =	shalt  }
0x75: {  	_ =	shalt  }
0x76: {  	_ =	shalt  }
0x77: {  	_ =	shalt  }
0x78: {  	_ =	shalt  }
0x79: {  	_ =	shalt  }
0x7a: {  	_ =	shalt  }
0x7b: {  	_ =	shalt  }
0x7c: {  	_ =	shalt  }
0x7d: {  	_ =	shalt  }
0x7e: {  	_ =	shalt  }
0x7f: {  	_ =	shalt  }
0x80: {  	_ =	shalt  }
0x81: {  	_ =	shalt  }
0x82: {  	_ =	shalt  }
0x83: {  	_ =	shalt  }
0x84: {  	_ =	shalt  }
0x85: {  	_ =	shalt  }
0x86: {  	_ =	shalt  }
0x87: {  	_ =	shalt  }
.Lfunc_end0:
.L_simem_size_0:
called_computation.1_lowered:
.L_overlay_start_0:
0x88: {  	s2 =	sld [smem:$0x3FD9]  }
0x89: {  	s3 =	sld [smem:$0x3FFE];
	_ =	sdelay $0x1  }
0x8a: {  	s1 =	srdreg.scid  }
0x8b: {  	s0 =	sand.u32 $0x1, s1  }
0x8c: {  	s16 =	sshll.u32 s0, $0xA;
	s2 =	sadd.s32 s3, s2  }
0x8d: {  	s2 =	sadd.s32 s2, s16  }
0x8e: {  	[smem:$0x3FB0] =	sst s2  }
0x8f: {  	_ = 	snop  }
0x90: {  	(tm) =	ssettm $0x1  }
0x91: {  	s17 =	sld [smem:$0x3FFB];
	_ =	sdelay $0x3  }
0x92: {  	_ =	strace s17  }
0x93: {  	s2 =	sld [smem:$0x3FFC];
	_ =	sdelay $0x3  }
0x94: {  	_ =	strace s2  }
0x95: {  	s2 =	sld [smem:$0x3FFD];
	_ =	sdelay $0x3  }
0x96: {  	_ =	strace s2  }
0x97: {  	_ =	strace $0x8FFFFFFF  }
0x98: {  	s18 =	sld [smem:$0x3FDB];
	_ =	sdelay $0x1  }
0x99: {  	s19 =	simm.s32 $_scs_section_size  }
0x9a: {  	s4 =	simm.s32 $_size__tile_overlayer_lowered;
	s5 =	simm.s32 $_tile_overlayer_lowered  }
0x9b: {  	s22 =	simm.s32 $0x1BFF;
	s21 =	sshll.u32 s5, $0x1;
	s2 =	sadd.s32 s19, s18  }
0x9c: {  	s6 =	simm.s32 $0x0;
	s20 =	sshll.u32 s4, $0x1;
	s4 =	sadd.s32 s21, s2  }
0x9d: {  	[timem:s6], [sflag:s22] =	dma.local [hbm:s4], s20  }
0x9e: {  	_ =	swait.ge [sflag:s22], s20  }
0x9f: {  	s3 =	ssub.s32 $0x0, s20;
	[sflag:s22] =	ssyncset.done $0x0  }
0xa0: {  	[sflag:s22] =	ssyncadd.s32 s3;
	_ =	sdelay $0x1  }
0xa1: {  	s23 =	simm.s32 $0x1B8B  }
0xa2: {  	_ =	swait.ge [sflag:s23], $0x1  }
0xa3: {  	[sflag:s23] =	ssyncset.done $0x0  }
0xa4: {  	s25 =	simm.s32 $0x1B8E;
	s24 =	sld [smem:$0x3FFE];
	[sflag:s23] =	ssyncadd.s32 $0xFFFFFFFF  }
0xa5: {  	s26 =	simm.s32 $execute0_lowered;
	[smem:$0x3FD2] =	sst s25  }
0xa6: {  	s4 =	sshll.u32 s26, $0x1;
	_ =	strace $0x80000049;
	[dreg:$0x1] =	wrdreg $0xFFFFFFFF  }
0xa7: {  	s28 =	simm.s32 $_size_execute0_lowered;
	s2 =	sadd.s32 s2, s4;
	[dreg:$0x0] =	wrdreg $0x0  }
0xa8: {  	s4 =	sshll.u32 s28, $0x1;
	[dreg:$0x2] =	wrdreg s2  }
0xa9: {  	[dreg:$0x3] =	wrdreg s4  }
0xaa: {  	[dreg:$0x4] =	wrdreg $0xC0  }
0xab: {  	_ =	task [dreg:s6], $0x5FFFF  }
0xac: {  	[dreg:$0x1] =	wrdreg $0xFFFFFFFF  }
0xad: {  	[dreg:$0x0] =	wrdreg $0x60  }
0xae: {  	[dreg:$0x2] =	wrdreg s24  }
0xaf: {  	[dreg:$0x3] =	wrdreg $0xB2200  }
0xb0: {  	[dreg:$0x4] =	wrdreg $0x150200  }
0xb1: {  	[dreg:$0x5] =	wrdreg $0x9  }
0xb2: {  	_ =	task.clear_ibuf [dreg:s6], $0x6FFFF;
	_ =	strace $0x90000049  }
0xb3: {  	s29 =	simm.s32 $0x9;
	_ =	strace $0x8000004B  }
0xb4: {  	_ =	swait.ge [sflag:s29], $0x1  }
0xb5: {  	[sflag:s29] =	ssyncadd.s32 $0xFFFFFFFF  }
0xb6: {  	_ =	strace $0x9000004B  }
0xb7: {  	_ =	sfence  }
0xb8: {  	s30 =	sld [smem:$0x0];
	_ =	sdelay $0x2  }
0xb9: {  	s31 =	sshll.u32 s1, $0xD;
	s1 =	sshrl.u32 s1, $0x2  }
0xba: {  	s3 =	sand.u32 $0x4000, s31;
	s1 =	sadd.s32 s1, s30  }
0xbb: {  	s0 =	sor.u32 s3, s0;
	s1 =	sshll.u32 s1, $0x11  }
0xbc: {  	s0 =	sor.u32 s1, s0  }
0xbd: {  	s0 =	sadd.s32 $0x8F2B, s0  }
0xbe: {  	[sflag:s0] =	ssyncadd.remote.s32 $0x1  }
0xbf: {  	_ =	sfence.sel $0xFFFF  }
0xc0: {  	[dreg:$0x0] =	wrdreg $0xFFFFFFFF;
	(pc) =	sbr.abs _section_cstart, $3  }
0xc1: {  	[dreg:$0x1] =	wrdreg $0xFFFFFFFF  }
0xc2: {  	_ =	task.clear_ibuf [dreg:s6], $0x2FFFF;
	_ =	strace $0x9FFFFFFF  }
0xc3: {  	(tm) =	ssettm $0x7FFFFFFF  }
tec
execute0_lowered:
.L_overlay_start_1:
0x0: {  	(tag) =	ssettag $0x1  }
0x1: {  	s6 =	rddreg [dreg:$0x0]  }
0x2: {  	s2 =	rddreg [dreg:$0x1]  }
0x3: {  	s3 =	rddreg [dreg:$0x2]  }
0x4: {  	s0 =	rddreg [dreg:$0x3]  }
0x5: {  	s1 =	stileid.u32;
	s4 =	srdreg.scid  }
0x6: {  	s16 =	simm.s32 $0x190;
	s17 =	simm.s32 $0x4E20;
	s18 =	simm.s32 $0x1  }
0x7: {  	s19 =	simm.s32 $0x0;
	s7 =	smul.u32 $0x9E00, s1;
	s5 =	sand.u32 $0x1, s4  }
0x8: {  	s8 =	sshll.u32 s1, $0x1;
	s4 =	simm.s32 $0x0;
	s31 =	sshll.u32 s1, $0x6  }
0x9: {  	s8 =	sor.u32 s5, s8;
	s9 =	smul.u32 $0x9E000, s5;
	[smem:$0x7FF] =	sst s4  }
0xa: {  	s29 =	ssub.s32 $0x2, s5;
	s5 =	sadd.s32 $0x2A600, s6;
	s10 =	sshrl.u32 s7, $0x3  }
0xb: {  	s8 =	smul.u32 $0x4E2, s8;
	_ =	strace $0x8000004A;
	s30 =	sshrl.u32 s29, $0x1  }
0xc: {  	s14 =	sadd.s32 s7, s2;
	s15 =	sadd.s32 s7, s3;
	s9 =	sadd.s32 s7, s9  }
0xd: {  	s10 =	sadd.s32 s10, s6;
	s13 =	ssub.s32 s29, s30;
	s28 =	sshrl.u32 s9, $0x3  }
0xe: {  	s11 =	sadd.s32 s8, s6;
	s7 =	sadd.s32 $0x16A00, s10;
	s12 =	sadd.s32 s28, s6  }
0xf: {  	s6 =	sor.u32 $0x1C02, s31;
	s8 =	sadd.s32 $0xCC00, s11;
	s9 =	sadd.s32 $0x2E00, s11  }
0x10: {  	s11 =	smax.u32 s13, $0x1;
	s13 =	simm.s32 $0x2;
	s10 =	sadd.s32 $0x2BA00, s12  }
0x11: {  	s12 =	sshrl.u32 s14, $0x3;
	s14 =	sshrl.u32 s15, $0x3;
	s15 =	simm.s32 $0x2710  }
.LBB2_1:
0x12: {  	[spmem:s12], [sflag:s6] =	dma.local [hbm:s5], $0x13C0  }
0x13: {  	_ =	swait.ge [sflag:s13], $0x13C0  }
0x14: {  	[sflag:s13] =	ssyncset.done $0x0  }
0x15: {  	[sflag:s13] =	ssyncadd.s32 $0xFFFFEC40  }
0x16: {  	[spmem:s14], [sflag:s6] =	dma.local [hbm:s7], $0x13C0  }
0x17: {  	_ =	swait.ge [sflag:s13], $0x13C0  }
0x18: {  	[sflag:s13] =	ssyncset.done $0x0  }
0x19: {  	[sflag:s13] =	ssyncadd.s32 $0xFFFFEC40  }
0x1a: {  	[tilespmem:s4], [sflag:$0x2] =	stream.linear.gather [hbm4b:s8+s4], $0x2710, $0x38;
	[tilespmem:$0x1EE20] =	vst v63  }
0x1b: {  	_ =	swait.ge [sflag:s13], $0x2710  }
0x1c: {  	[sflag:s13] =	ssyncset.done $0x0  }
0x1d: {  	[sflag:s13] =	ssyncadd.s32 $0xFFFFD8F0  }
0x1e: {  	[tilespmem:s15], [sflag:$0x2] =	stream.linear.gather [hbm4b:s9+s4], $0x2710, $0x38;
	[tilespmem:$0x1EE20] =	vst v63  }
0x1f: {  	_ =	swait.ge [sflag:s13], $0x2710  }
0x20: {  	[sflag:s13] =	ssyncset.done $0x0  }
0x21: {  	[sflag:s13] =	ssyncadd.s32 $0xFFFFD8F0  }
0x22: {  	s20 =	simm.s32 $0x0;
	[bflag:$0x0] =	sbarrier.arrive $0xFFFF  }
0x23: {  	[tilespmem:s17], [sflag:$0x1] =	stream.indirect.gather [spmem:s3], $0x40, s20, s16, $0xb8;
	[tilespmem:$0x1EE20] =	vst v63  }
0x24: {  	_ =	swait.ge [sflag:s18], $0x6400  }
0x25: {  	[sflag:s18] =	ssyncset.done $0x0  }
0x26: {  	s31 =	simm.s32 $0x2710;
	[sflag:s18] =	ssyncadd.s32 $0xFFFF9C00  }
0x27: {  	[spmem:s2] =	stream.indirect.scatter.add.f32 [tilespmem:s17], [sflag:$0x2], $0x40, s31, s16, $0xb8;
	[tilespmem:$0x1EE20] =	vst v63  }
0x28: {  	_ =	swait.ge [sflag:s13], $0x6400  }
0x29: {  	s21 =	simm.s32 $0xC80;
	s20 =	simm.s32 $0x640;
	[sflag:s13] =	ssyncset.done $0x0  }
.LBB2_2:
0x2a: {  	s22 =	sshra.s32 s20, $0x2  }
0x2b: {  	[sflag:s13] =	ssyncadd.s32 $0xFFFF9C00;
	s20 =	smov.u32 s21;
	s23 =	sadd.s32 $0x640, s21  }
0x2c: {  	[tilespmem:s17], [sflag:$0x1] =	stream.indirect.gather [spmem:s3], $0x40, s22, s16, $0xb8;
	[tilespmem:$0x1EE20] =	vst v63  }
0x2d: {  	p0 =	sne.s32 s21, $0x9600;
	_ =	swait.ge [sflag:s18], $0x6400  }
.Ltmp0:
0x2e: {  	[sflag:s18] =	ssyncset.done $0x0;
	(pc) =	sbr.rel @p0 .LBB2_2-.Ltmp0, $4  }
0x2f: {  	s21 =	sadd.s32 $0x2710, s22;
	[sflag:s18] =	ssyncadd.s32 $0xFFFF9C00  }
0x30: {  	[spmem:s2] =	stream.indirect.scatter.add.f32 [tilespmem:s17], [sflag:$0x2], $0x40, s21, s16, $0xb8;
	[tilespmem:$0x1EE20] =	vst v63  }
0x31: {  	_ =	swait.ge [sflag:s13], $0x6400  }
0x32: {  	s21 =	smov.u32 s23;
	[sflag:s13] =	ssyncset.done $0x0  }
0x33: {  	s20 =	sshra.s32 s20, $0x2;
	[sflag:s13] =	ssyncadd.s32 $0xFFFF9C00  }
0x34: {  	[tilespmem:s17], [sflag:$0x1] =	stream.indirect.gather [spmem:s3], $0x40, s20, s16, $0xb8;
	[tilespmem:$0x1EE20] =	vst v63  }
0x35: {  	_ =	swait.ge [sflag:s18], $0x6400  }
0x36: {  	[sflag:s18] =	ssyncset.done $0x0  }
0x37: {  	s20 =	sadd.s32 $0x2710, s20;
	[sflag:s18] =	ssyncadd.s32 $0xFFFF9C00  }
0x38: {  	[spmem:s2] =	stream.indirect.scatter.add.f32 [tilespmem:s17], [sflag:$0x2], $0x40, s20, s16, $0xb8;
	[tilespmem:$0x1EE20] =	vst v63  }
0x39: {  	_ =	swait.ge [sflag:s13], $0x6400  }
0x3a: {  	s19 =	sadd.s32 $0x1, s19;
	[sflag:s13] =	ssyncset.done $0x0  }
0x3b: {  	p0 =	sne.s32 s19, s11;
	[sflag:s13] =	ssyncadd.s32 $0xFFFF9C00  }
.Ltmp1:
0x3c: {  	[bflag:$0x0] =	sbarrier.arrive $0xFFFF;
	(pc) =	sbr.rel @p0 .LBB2_1-.Ltmp1, $4  }
0x3d: {  	[hbm:s10], [sflag:s6] =	dma.local [spmem:s12], $0x13C0  }
0x3e: {  	_ =	swait.ge [sflag:s13], $0x13C0  }
0x3f: {  	[sflag:s13] =	ssyncset.done $0x0  }
0x40: {  	[sflag:s13] =	ssyncadd.s32 $0xFFFFEC40  }
0x41: {  	_ =	sfence.sel $0x180000  }
0x42: {  	[bflag:$0x0] =	sbarrier.arrive $0xFFFF  }
0x43: {  	p0 =	sne.s32 s1, $0x0;
	_ =	strace $0x9000004A  }
0x44: {  	s0 =	sadd.s32 @!p0 $0x100000, s0;
	[bflag:$0x2] =	sbarrier.arrive $0xFFFF  }
0x45: {  	[sflag:s0] =	ssyncadd.tile.s32 @!p0 $0x1;
	_ =	shalt  }
.Lfunc_end2:
_tile_overlayer_lowered:
.L_overlay_start_2:
0x46: {  	(tag) =	ssettag $0x2  }
0x47: {  	s0 =	rddreg [dreg:$0x0];
	s2 =	stileid.u32  }
0x48: {  	s1 =	rddreg [dreg:$0x1];
	p0 =	sne.s32 s2, $0x0  }
0x49: {  	s3 =	rddreg [dreg:$0x2];
	[bflag:$0x3] =	sbarrier.arrive $0xFFFF;
	s2 =	simm.s32 @!p0 $0x1C02  }
0x4a: {  	[timem:s3], [sflag:s2] =	dma.local @!p0 [hbm:s0], s1  }
0x4b: {  	s0 =	simm.s32 @!p0 $0x2  }
0x4c: {  	_ =	swait.ge @!p0 [sflag:s0], s1  }
0x4d: {  	s1 =	ssub.s32 @!p0 $0x0, s1;
	[sflag:s0] =	ssyncset.done @!p0 $0x0  }
0x4e: {  	[sflag:s0] =	ssyncadd.s32 @!p0 s1  }
0x4f: {  	[bflag:$0x3] =	sbarrier.arrive $0xFFFF  }
0x50: {  	_ =	shalt  }

// kernel: kernel.7.cloned.1.call-start
scs
__scs_entry_jumppad:
0x0: {  	(pc) =	sbr.rel $0x88, $3  }
0x1: {  	(tag) =	ssettag $0x0;
	lr =	simm.s32 $0x1  }
0x2: {  	[smem:$0x3F89] =	sst lr;
	_ =	strace $0xD0000000  }
0x3: {  	_ = 	snop  }
0x4: {  	_ = 	snop  }
0x5: {  	_ = 	snop  }
0x6: {  	_ = 	snop  }
0x7: {  	_ = 	snop  }
__scs_overlays_trampoline_lowered:
0x8: {  	[smem:$0x3F98] =	sst s0  }
0x9: {  	[smem:$0x3F99] =	sst s1  }
0xa: {  	[smem:$0x3F9A] =	sst s2  }
0xb: {  	[smem:$0x3F9B] =	sst s3  }
0xc: {  	[smem:$0x3F9C] =	sst s4  }
0xd: {  	[smem:$0x3F9D] =	sst s5  }
0xe: {  	[smem:$0x3F9E] =	sst s6  }
0xf: {  	[smem:$0x3F9F] =	sst s7  }
0x10: {  	[smem:$0x3FA0] =	sst s8  }
0x11: {  	[smem:$0x3FA1] =	sst s9;
	s0 =	simm.s32 @!p0 $0x0  }
0x12: {  	s1 =	sld [smem:$0x3F87];
	s0 =	simm.s32 @p0 $0x1  }
0x13: {  	[smem:$0x3FA2] =	sst s0;
	s0 =	simm.s32 @!p1 $0x0  }
0x14: {  	s2 =	sld [smem:$0x3F86];
	s0 =	simm.s32 @p1 $0x1  }
0x15: {  	[smem:$0x3FA3] =	sst s0;
	s0 =	simm.s32 @!p2 $0x0  }
0x16: {  	s3 =	sld [smem:$0x3FDB];
	s0 =	simm.s32 @p2 $0x1  }
0x17: {  	s4 =	simm.s32 $0x1BF5;
	[smem:$0x3FA5] =	sst s0  }
0x18: {  	s0 =	sld [smem:$0x3F88];
	_ =	swait.ge [sflag:s4], $0x0  }
0x19: {  	s7 =	sld [smem:$0x3F89]  }
0x1a: {  	s8 =	sadd.s32 $0xFFFFE003, lr  }
0x1b: {  	s9 =	sadd.s32 $0xFFFFFEF7, lr;
	s5 =	simm.s32 $0xFFFFFFFF;
	p2 =	slt.u32 s8, $0xFFFFF086  }
0x1c: {  	p1 =	slt.u32 s9, $0xF7A;
	s5 =	simm.s32 @!p2 $0x0  }
0x1d: {  	s5 =	simm.s32 @p1 $0x1;
	p0 =	seq.s32 s7, s2  }
0x1e: {  	s7 =	smul.u32 @!p0 $0xF7A, s2;
	p2 =	seq.s32 @!p0 s5, $0x0  }
0x1f: {  	s9 =	smul.u32 $0xF7A, s1;
	s8 =	simm.s32 @!p0 $0x1BF5;
	p2 =	por !p2, p0  }
0x20: {  	[sflag:s8] =	ssyncset.s32 @!p0 $0xFFFFF086;
	s6 =	sadd.s32 @!p0 s3, s7;
	s7 =	simm.s32 @!p0 $0x108  }
0x21: {  	s3 =	sadd.s32 s3, s9;
	s6 =	sadd.s32 @!p0 $0x88, s6;
	s7 =	simm.s32 @p2 $0x1082  }
0x22: {  	[simem:s7], [sflag:s8] =	dma.local @!p0 [hbm:s6], $0xF7A  }
0x23: {  	s9 =	sor.u32 $0xD0000000, s2;
	s6 =	simm.s32 $0x108;
	_ =	swait.ge @!p0 [sflag:s8], $0x0  }
0x24: {  	s3 =	sadd.s32 $0x88, s3;
	s6 =	simm.s32 @!p1 $0x1082;
	[sflag:s4] =	ssyncset.s32 $0xFFFFF086  }
0x25: {  	[simem:s6], [sflag:s4] =	dma.local [hbm:s3], $0xF7A  }
0x26: {  	[smem:$0x3F89] =	sst s1;
	(tag) =	ssettag s2;
	_ =	strace s9  }
0x27: {  	s1 =	sld [smem:$0x3F99]  }
0x28: {  	s2 =	sld [smem:$0x3F9A]  }
0x29: {  	s4 =	sld [smem:$0x3F9C]  }
0x2a: {  	p0 =	seq.s32 s5, $0x0;
	s5 =	sld [smem:$0x3F9D]  }
0x2b: {  	s6 =	sld [smem:$0x3F9E]  }
0x2c: {  	s7 =	sld [smem:$0x3F9F]  }
0x2d: {  	s3 =	simm.s32 $0x108;
	s8 =	sld [smem:$0x3FA0]  }
0x2e: {  	s3 =	simm.s32 @!p0 $0x1082;
	s9 =	sld [smem:$0x3FA1]  }
0x2f: {  	lr =	sadd.s32 s0, s3;
	s0 =	sld [smem:$0x3F98]  }
0x30: {  	s3 =	sld [smem:$0x3F9B]  }
0x31: {  	[smem:$0x3FA4] =	sst s10  }
0x32: {  	s10 =	sld [smem:$0x3FA2];
	_ =	sdelay $0x3  }
0x33: {  	p0 =	seq.s32 s10, $0x1;
	s10 =	sld [smem:$0x3FA4];
	_ =	sdelay $0x3  }
0x34: {  	[smem:$0x3FA4] =	sst s10  }
0x35: {  	s10 =	sld [smem:$0x3FA3];
	_ =	sdelay $0x3  }
0x36: {  	p1 =	seq.s32 s10, $0x1;
	s10 =	sld [smem:$0x3FA4];
	_ =	sdelay $0x3  }
0x37: {  	[smem:$0x3FA4] =	sst s10  }
0x38: {  	s10 =	sld [smem:$0x3FA5]  }
0x39: {  	_ = 	snop;
	(pc) =	sbr.ind lr, $3  }
0x3a: {  	_ = 	snop  }
0x3b: {  	_ = 	snop  }
0x3c: {  	p2 =	seq.s32 s10, $0x1;
	s10 =	sld [smem:$0x3FA4]  }
0x3d: {  	_ =	shalt  }
0x3e: {  	_ =	shalt  }
0x3f: {  	_ =	shalt  }
0x40: {  	_ =	shalt  }
0x41: {  	_ =	shalt  }
0x42: {  	_ =	shalt  }
0x43: {  	_ =	shalt  }
0x44: {  	_ =	shalt  }
0x45: {  	_ =	shalt  }
0x46: {  	_ =	shalt  }
0x47: {  	_ =	shalt  }
0x48: {  	_ =	shalt  }
0x49: {  	_ =	shalt  }
0x4a: {  	_ =	shalt  }
0x4b: {  	_ =	shalt  }
0x4c: {  	_ =	shalt  }
0x4d: {  	_ =	shalt  }
0x4e: {  	_ =	shalt  }
0x4f: {  	_ =	shalt  }
0x50: {  	_ =	shalt  }
0x51: {  	_ =	shalt  }
0x52: {  	_ =	shalt  }
0x53: {  	_ =	shalt  }
0x54: {  	_ =	shalt  }
0x55: {  	_ =	shalt  }
0x56: {  	_ =	shalt  }
0x57: {  	_ =	shalt  }
0x58: {  	_ =	shalt  }
0x59: {  	_ =	shalt  }
0x5a: {  	_ =	shalt  }
0x5b: {  	_ =	shalt  }
0x5c: {  	_ =	shalt  }
0x5d: {  	_ =	shalt  }
0x5e: {  	_ =	shalt  }
0x5f: {  	_ =	shalt  }
0x60: {  	_ =	shalt  }
0x61: {  	_ =	shalt  }
0x62: {  	_ =	shalt  }
0x63: {  	_ =	shalt  }
0x64: {  	_ =	shalt  }
0x65: {  	_ =	shalt  }
0x66: {  	_ =	shalt  }
0x67: {  	_ =	shalt  }
0x68: {  	_ =	shalt  }
0x69: {  	_ =	shalt  }
0x6a: {  	_ =	shalt  }
0x6b: {  	_ =	shalt  }
0x6c: {  	_ =	shalt  }
0x6d: {  	_ =	shalt  }
0x6e: {  	_ =	shalt  }
0x6f: {  	_ =	shalt  }
0x70: {  	_ =	shalt  }
0x71: {  	_ =	shalt  }
0x72: {  	_ =	shalt  }
0x73: {  	_ =	shalt  }
0x74: {  	_ =	shalt  }
0x75: {  	_ =	shalt  }
0x76: {  	_ =	shalt  }
0x77: {  	_ =	shalt  }
0x78: {  	_ =	shalt  }
0x79: {  	_ =	shalt  }
0x7a: {  	_ =	shalt  }
0x7b: {  	_ =	shalt  }
0x7c: {  	_ =	shalt  }
0x7d: {  	_ =	shalt  }
0x7e: {  	_ =	shalt  }
0x7f: {  	_ =	shalt  }
0x80: {  	_ =	shalt  }
0x81: {  	_ =	shalt  }
0x82: {  	_ =	shalt  }
0x83: {  	_ =	shalt  }
0x84: {  	_ =	shalt  }
0x85: {  	_ =	shalt  }
0x86: {  	_ =	shalt  }
0x87: {  	_ =	shalt  }
.Lfunc_end0:
.L_simem_size_0:
called_computation_lowered:
.L_overlay_start_0:
0x88: {  	s2 =	sld [smem:$0x3FD9]  }
0x89: {  	s3 =	sld [smem:$0x3FFE];
	_ =	sdelay $0x1  }
0x8a: {  	s1 =	srdreg.scid  }
0x8b: {  	s0 =	sand.u32 $0x1, s1  }
0x8c: {  	s16 =	sshll.u32 s0, $0xA;
	s2 =	sadd.s32 s3, s2  }
0x8d: {  	s2 =	sadd.s32 s2, s16  }
0x8e: {  	[smem:$0x3FB0] =	sst s2  }
0x8f: {  	_ = 	snop  }
0x90: {  	(tm) =	ssettm $0x1  }
0x91: {  	s17 =	sld [smem:$0x3FFB];
	_ =	sdelay $0x3  }
0x92: {  	_ =	strace s17  }
0x93: {  	s2 =	sld [smem:$0x3FFC];
	_ =	sdelay $0x3  }
0x94: {  	_ =	strace s2  }
0x95: {  	s2 =	sld [smem:$0x3FFD];
	_ =	sdelay $0x3  }
0x96: {  	_ =	strace s2  }
0x97: {  	_ =	strace $0x8FFFFFFF  }
0x98: {  	s18 =	sld [smem:$0x3FDB];
	_ =	sdelay $0x1  }
0x99: {  	s19 =	simm.s32 $_scs_section_size  }
0x9a: {  	s4 =	simm.s32 $_size__tile_overlayer_lowered;
	s5 =	simm.s32 $_tile_overlayer_lowered  }
0x9b: {  	s22 =	simm.s32 $0x1BFF;
	s21 =	sshll.u32 s5, $0x1;
	s2 =	sadd.s32 s19, s18  }
0x9c: {  	s6 =	simm.s32 $0x0;
	s20 =	sshll.u32 s4, $0x1;
	s4 =	sadd.s32 s21, s2  }
0x9d: {  	[timem:s6], [sflag:s22] =	dma.local [hbm:s4], s20  }
0x9e: {  	_ =	swait.ge [sflag:s22], s20  }
0x9f: {  	s3 =	ssub.s32 $0x0, s20;
	[sflag:s22] =	ssyncset.done $0x0  }
0xa0: {  	[sflag:s22] =	ssyncadd.s32 s3;
	_ =	sdelay $0x1  }
0xa1: {  	s23 =	simm.s32 $0x1B8B  }
0xa2: {  	_ =	swait.ge [sflag:s23], $0x1  }
0xa3: {  	[sflag:s23] =	ssyncset.done $0x0  }
0xa4: {  	s25 =	simm.s32 $0x1B8E;
	s24 =	sld [smem:$0x3FFE];
	[sflag:s23] =	ssyncadd.s32 $0xFFFFFFFF  }
0xa5: {  	s26 =	simm.s32 $execute0_lowered;
	[smem:$0x3FD2] =	sst s25  }
0xa6: {  	s4 =	sshll.u32 s26, $0x1;
	_ =	strace $0x80000046;
	[dreg:$0x1] =	wrdreg $0xFFFFFFFF  }
0xa7: {  	s28 =	simm.s32 $_size_execute0_lowered;
	s2 =	sadd.s32 s2, s4;
	[dreg:$0x0] =	wrdreg $0x0  }
0xa8: {  	s4 =	sshll.u32 s28, $0x1;
	[dreg:$0x2] =	wrdreg s2  }
0xa9: {  	[dreg:$0x3] =	wrdreg s4  }
0xaa: {  	[dreg:$0x4] =	wrdreg $0xC0  }
0xab: {  	_ =	task [dreg:s6], $0x5FFFF  }
0xac: {  	[dreg:$0x1] =	wrdreg $0xFFFFFFFF  }
0xad: {  	[dreg:$0x0] =	wrdreg $0x60  }
0xae: {  	[dreg:$0x2] =	wrdreg s24  }
0xaf: {  	[dreg:$0x3] =	wrdreg $0xB2200  }
0xb0: {  	[dreg:$0x4] =	wrdreg $0x150200  }
0xb1: {  	[dreg:$0x5] =	wrdreg $0x9  }
0xb2: {  	_ =	task.clear_ibuf [dreg:s6], $0x6FFFF;
	_ =	strace $0x90000046  }
0xb3: {  	s29 =	simm.s32 $0x9;
	_ =	strace $0x80000048  }
0xb4: {  	_ =	swait.ge [sflag:s29], $0x1  }
0xb5: {  	[sflag:s29] =	ssyncadd.s32 $0xFFFFFFFF  }
0xb6: {  	_ =	strace $0x90000048  }
0xb7: {  	_ =	sfence  }
0xb8: {  	s30 =	sld [smem:$0x0];
	_ =	sdelay $0x2  }
0xb9: {  	s31 =	sshll.u32 s1, $0xD;
	s1 =	sshrl.u32 s1, $0x2  }
0xba: {  	s3 =	sand.u32 $0x4000, s31;
	s1 =	sadd.s32 s1, s30  }
0xbb: {  	s0 =	sor.u32 s3, s0;
	s1 =	sshll.u32 s1, $0x11  }
0xbc: {  	s0 =	sor.u32 s1, s0  }
0xbd: {  	s0 =	sadd.s32 $0x8F2B, s0  }
0xbe: {  	[sflag:s0] =	ssyncadd.remote.s32 $0x1  }
0xbf: {  	_ =	sfence.sel $0xFFFF  }
0xc0: {  	[dreg:$0x0] =	wrdreg $0xFFFFFFFF;
	(pc) =	sbr.abs _section_cstart, $3  }
0xc1: {  	[dreg:$0x1] =	wrdreg $0xFFFFFFFF  }
0xc2: {  	_ =	task.clear_ibuf [dreg:s6], $0x2FFFF;
	_ =	strace $0x9FFFFFFF  }
0xc3: {  	(tm) =	ssettm $0x7FFFFFFF  }
tec
execute0_lowered:
.L_overlay_start_1:
0x0: {  	(tag) =	ssettag $0x1  }
0x1: {  	s6 =	rddreg [dreg:$0x0]  }
0x2: {  	s2 =	rddreg [dreg:$0x1]  }
0x3: {  	s3 =	rddreg [dreg:$0x2]  }
0x4: {  	s0 =	rddreg [dreg:$0x3]  }
0x5: {  	s1 =	stileid.u32;
	s4 =	srdreg.scid  }
0x6: {  	s16 =	simm.s32 $0x190;
	s17 =	simm.s32 $0x4E20;
	s18 =	simm.s32 $0x1  }
0x7: {  	s19 =	simm.s32 $0x0;
	s7 =	smul.u32 $0x9E00, s1;
	s5 =	sand.u32 $0x1, s4  }
0x8: {  	s8 =	sshll.u32 s1, $0x1;
	s4 =	simm.s32 $0x0;
	s31 =	sshll.u32 s1, $0x6  }
0x9: {  	s8 =	sor.u32 s5, s8;
	s9 =	smul.u32 $0x9E000, s5;
	[smem:$0x7FF] =	sst s4  }
0xa: {  	s29 =	ssub.s32 $0x2, s5;
	s5 =	sadd.s32 $0x2A600, s6;
	s10 =	sshrl.u32 s7, $0x3  }
0xb: {  	s8 =	smul.u32 $0x4E2, s8;
	_ =	strace $0x80000047;
	s30 =	sshrl.u32 s29, $0x1  }
0xc: {  	s14 =	sadd.s32 s7, s2;
	s15 =	sadd.s32 s7, s3;
	s9 =	sadd.s32 s7, s9  }
0xd: {  	s10 =	sadd.s32 s10, s6;
	s13 =	ssub.s32 s29, s30;
	s28 =	sshrl.u32 s9, $0x3  }
0xe: {  	s11 =	sadd.s32 s8, s6;
	s7 =	sadd.s32 $0x16A00, s10;
	s12 =	sadd.s32 s28, s6  }
0xf: {  	s6 =	sor.u32 $0x1C02, s31;
	s8 =	sadd.s32 $0xCC00, s11;
	s9 =	sadd.s32 $0x2E00, s11  }
0x10: {  	s11 =	smax.u32 s13, $0x1;
	s13 =	simm.s32 $0x2;
	s10 =	sadd.s32 $0x2BA00, s12  }
0x11: {  	s12 =	sshrl.u32 s14, $0x3;
	s14 =	sshrl.u32 s15, $0x3;
	s15 =	simm.s32 $0x2710  }
.LBB2_1:
0x12: {  	[spmem:s12], [sflag:s6] =	dma.local [hbm:s5], $0x13C0  }
0x13: {  	_ =	swait.ge [sflag:s13], $0x13C0  }
0x14: {  	[sflag:s13] =	ssyncset.done $0x0  }
0x15: {  	[sflag:s13] =	ssyncadd.s32 $0xFFFFEC40  }
0x16: {  	[spmem:s14], [sflag:s6] =	dma.local [hbm:s7], $0x13C0  }
0x17: {  	_ =	swait.ge [sflag:s13], $0x13C0  }
0x18: {  	[sflag:s13] =	ssyncset.done $0x0  }
0x19: {  	[sflag:s13] =	ssyncadd.s32 $0xFFFFEC40  }
0x1a: {  	[tilespmem:s4], [sflag:$0x2] =	stream.linear.gather [hbm4b:s8+s4], $0x2710, $0x38;
	[tilespmem:$0x1EE20] =	vst v63  }
0x1b: {  	_ =	swait.ge [sflag:s13], $0x2710  }
0x1c: {  	[sflag:s13] =	ssyncset.done $0x0  }
0x1d: {  	[sflag:s13] =	ssyncadd.s32 $0xFFFFD8F0  }
0x1e: {  	[tilespmem:s15], [sflag:$0x2] =	stream.linear.gather [hbm4b:s9+s4], $0x2710, $0x38;
	[tilespmem:$0x1EE20] =	vst v63  }
0x1f: {  	_ =	swait.ge [sflag:s13], $0x2710  }
0x20: {  	[sflag:s13] =	ssyncset.done $0x0  }
0x21: {  	[sflag:s13] =	ssyncadd.s32 $0xFFFFD8F0  }
0x22: {  	s20 =	simm.s32 $0x0;
	[bflag:$0x0] =	sbarrier.arrive $0xFFFF  }
0x23: {  	[tilespmem:s17], [sflag:$0x1] =	stream.indirect.gather [spmem:s3], $0x40, s20, s16, $0xb8;
	[tilespmem:$0x1EE20] =	vst v63  }
0x24: {  	_ =	swait.ge [sflag:s18], $0x6400  }
0x25: {  	[sflag:s18] =	ssyncset.done $0x0  }
0x26: {  	s31 =	simm.s32 $0x2710;
	[sflag:s18] =	ssyncadd.s32 $0xFFFF9C00  }
0x27: {  	[spmem:s2] =	stream.indirect.scatter.add.f32 [tilespmem:s17], [sflag:$0x2], $0x40, s31, s16, $0xb8;
	[tilespmem:$0x1EE20] =	vst v63  }
0x28: {  	_ =	swait.ge [sflag:s13], $0x6400  }
0x29: {  	s21 =	simm.s32 $0xC80;
	s20 =	simm.s32 $0x640;
	[sflag:s13] =	ssyncset.done $0x0  }
.LBB2_2:
0x2a: {  	s22 =	sshra.s32 s20, $0x2  }
0x2b: {  	[sflag:s13] =	ssyncadd.s32 $0xFFFF9C00;
	s20 =	smov.u32 s21;
	s23 =	sadd.s32 $0x640, s21  }
0x2c: {  	[tilespmem:s17], [sflag:$0x1] =	stream.indirect.gather [spmem:s3], $0x40, s22, s16, $0xb8;
	[tilespmem:$0x1EE20] =	vst v63  }
0x2d: {  	p0 =	sne.s32 s21, $0x9600;
	_ =	swait.ge [sflag:s18], $0x6400  }
.Ltmp0:
0x2e: {  	[sflag:s18] =	ssyncset.done $0x0;
	(pc) =	sbr.rel @p0 .LBB2_2-.Ltmp0, $4  }
0x2f: {  	s21 =	sadd.s32 $0x2710, s22;
	[sflag:s18] =	ssyncadd.s32 $0xFFFF9C00  }
0x30: {  	[spmem:s2] =	stream.indirect.scatter.add.f32 [tilespmem:s17], [sflag:$0x2], $0x40, s21, s16, $0xb8;
	[tilespmem:$0x1EE20] =	vst v63  }
0x31: {  	_ =	swait.ge [sflag:s13], $0x6400  }
0x32: {  	s21 =	smov.u32 s23;
	[sflag:s13] =	ssyncset.done $0x0  }
0x33: {  	s20 =	sshra.s32 s20, $0x2;
	[sflag:s13] =	ssyncadd.s32 $0xFFFF9C00  }
0x34: {  	[tilespmem:s17], [sflag:$0x1] =	stream.indirect.gather [spmem:s3], $0x40, s20, s16, $0xb8;
	[tilespmem:$0x1EE20] =	vst v63  }
0x35: {  	_ =	swait.ge [sflag:s18], $0x6400  }
0x36: {  	[sflag:s18] =	ssyncset.done $0x0  }
0x37: {  	s20 =	sadd.s32 $0x2710, s20;
	[sflag:s18] =	ssyncadd.s32 $0xFFFF9C00  }
0x38: {  	[spmem:s2] =	stream.indirect.scatter.add.f32 [tilespmem:s17], [sflag:$0x2], $0x40, s20, s16, $0xb8;
	[tilespmem:$0x1EE20] =	vst v63  }
0x39: {  	_ =	swait.ge [sflag:s13], $0x6400  }
0x3a: {  	s19 =	sadd.s32 $0x1, s19;
	[sflag:s13] =	ssyncset.done $0x0  }
0x3b: {  	p0 =	sne.s32 s19, s11;
	[sflag:s13] =	ssyncadd.s32 $0xFFFF9C00  }
.Ltmp1:
0x3c: {  	[bflag:$0x0] =	sbarrier.arrive $0xFFFF;
	(pc) =	sbr.rel @p0 .LBB2_1-.Ltmp1, $4  }
0x3d: {  	[hbm:s10], [sflag:s6] =	dma.local [spmem:s12], $0x13C0  }
0x3e: {  	_ =	swait.ge [sflag:s13], $0x13C0  }
0x3f: {  	[sflag:s13] =	ssyncset.done $0x0  }
0x40: {  	[sflag:s13] =	ssyncadd.s32 $0xFFFFEC40  }
0x41: {  	_ =	sfence.sel $0x180000  }
0x42: {  	[bflag:$0x0] =	sbarrier.arrive $0xFFFF  }
0x43: {  	p0 =	sne.s32 s1, $0x0;
	_ =	strace $0x90000047  }
0x44: {  	s0 =	sadd.s32 @!p0 $0x100000, s0;
	[bflag:$0x2] =	sbarrier.arrive $0xFFFF  }
0x45: {  	[sflag:s0] =	ssyncadd.tile.s32 @!p0 $0x1;
	_ =	shalt  }
.Lfunc_end2:
_tile_overlayer_lowered:
.L_overlay_start_2:
0x46: {  	(tag) =	ssettag $0x2  }
0x47: {  	s0 =	rddreg [dreg:$0x0];
	s2 =	stileid.u32  }
0x48: {  	s1 =	rddreg [dreg:$0x1];
	p0 =	sne.s32 s2, $0x0  }
0x49: {  	s3 =	rddreg [dreg:$0x2];
	[bflag:$0x3] =	sbarrier.arrive $0xFFFF;
	s2 =	simm.s32 @!p0 $0x1C02  }
0x4a: {  	[timem:s3], [sflag:s2] =	dma.local @!p0 [hbm:s0], s1  }
0x4b: {  	s0 =	simm.s32 @!p0 $0x2  }
0x4c: {  	_ =	swait.ge @!p0 [sflag:s0], s1  }
0x4d: {  	s1 =	ssub.s32 @!p0 $0x0, s1;
	[sflag:s0] =	ssyncset.done @!p0 $0x0  }
0x4e: {  	[sflag:s0] =	ssyncadd.s32 @!p0 s1  }
0x4f: {  	[bflag:$0x3] =	sbarrier.arrive $0xFFFF  }
0x50: {  	_ =	shalt  }

</sc_bundles>
